<compile_context>
chip_gen: v7x
topology: tpu7x:2x2x1
jax: 0.10.2.dev20260603
libtpu: 0.0.44.dev20260713+nightly
codegen_flags: <defaults>
</compile_context>

<pallas_src>
import functools

import jax
import jax.numpy as jnp
from jax import lax
from jax.experimental import pallas as pl
from jax.experimental.pallas import tpu as pltpu
from jax.experimental.pallas import tpu_sc as plsc

_N = 10000
_D = 128
_TOT = _N * _D
_NSUB = 16
_CHUNK = _TOT // _NSUB
_LANES = 16
_PIECES = 4
_PIECE = _CHUNK // _PIECES
_UNROLL = 10
_STRIDE = _LANES * _UNROLL


def _sc_mean_body(x_hbm, g_hbm, part_hbm, out_hbm, buf0_v, buf1_v, vec_v,
                  gath_v, g_v, sem0, sem1, semg):
    s = lax.axis_index("s")
    base = s * _CHUNK
    bufs = (buf0_v, buf1_v)
    sems = (sem0, sem1)

    def start(p):
        return pltpu.async_copy(
            x_hbm.at[pl.ds(base + p * _PIECE, _PIECE)], bufs[p % 2],
            sems[p % 2])

    copies = {0: start(0), 1: start(1)}
    g_copy = pltpu.async_copy(g_hbm, g_v.at[pl.ds(0, 3)], semg)

    def reduce_piece(buf, accs):
        def step(i, accs):
            return tuple(a + buf[pl.ds(i + j * _LANES, _LANES)]
                         for j, a in enumerate(accs))
        return plsc.parallel_loop(0, _PIECE, step=_STRIDE, unroll=2,
                                  carry=accs)(step)

    accs = tuple(jnp.zeros((_LANES,), jnp.float32) for _ in range(_UNROLL))
    for p in range(_PIECES):
        copies.pop(p).wait()
        accs = reduce_piece(bufs[p % 2], accs)
        if p + 2 < _PIECES:
            copies[p + 2] = start(p + 2)

    while len(accs) > 1:
        h = len(accs) // 2
        accs = tuple(accs[i] + accs[i + h] for i in range(h)) + accs[2 * h:]
    vec_v[...] = accs[0]
    pltpu.sync_copy(vec_v, part_hbm.at[s])
    plsc.subcore_barrier()

    @pl.when(s == 0)
    def _():
        pltpu.sync_copy(part_hbm, gath_v)
        tot = jnp.zeros((_LANES,), jnp.float32)
        for i in range(_NSUB):
            tot = tot + gath_v[i]
        total = tot[0]
        for i in range(1, _LANES):
            total = total + tot[i]
        ybar = total * jnp.float32(1.0 / _TOT)
        g_copy.wait()
        gv = g_v[...]
        lane = lax.iota(jnp.int32, _LANES)
        vec_v[...] = jnp.where(lane == 1, ybar, gv)
        pltpu.sync_copy(vec_v.at[pl.ds(0, 3)], out_hbm)

    @pl.when(s != 0)
    def _():
        g_copy.wait()


_sc_mean = functools.partial(
    pl.kernel,
    out_type=(jax.ShapeDtypeStruct((_NSUB, _LANES), jnp.float32),
              jax.ShapeDtypeStruct((3,), jnp.float32)),
    mesh=plsc.VectorSubcoreMesh(core_axis_name="c", subcore_axis_name="s",
                                num_cores=1),
    compiler_params=pltpu.CompilerParams(
        disable_bounds_checks=True,
        disable_semaphore_checks=True,
        skip_device_barrier=True,
    ),
    scratch_types=[
        pltpu.VMEM((_PIECE,), jnp.float32),
        pltpu.VMEM((_PIECE,), jnp.float32),
        pltpu.VMEM((_LANES,), jnp.float32),
        pltpu.VMEM((_NSUB, _LANES), jnp.float32),
        pltpu.VMEM((_LANES,), jnp.float32),
        pltpu.SemaphoreType.DMA,
        pltpu.SemaphoreType.DMA,
        pltpu.SemaphoreType.DMA,
    ],
)(_sc_mean_body)


def kernel(vertex_attr, edgeij_pair, edge_attr, g, batch):
    x = vertex_attr.reshape(-1)
    _, out3 = _sc_mean(x, g)
    return out3

# --- scband reference (transcript-rebuilt; emitter-appended) ---
"""Pipeline reference for scband-rayleigh-layer-1-global-update-91096256348960 (READ-ONLY COPY).

The authoritative reference and input builder live on the scoring server;
editing this copy changes nothing except your own understanding.
"""

import jax, jax.numpy as jnp
import numpy as np

N = 10000
E = 320000
D = 128
DE = 16


def setup_inputs(seed: int = 0) -> dict:
    key = jax.random.key(seed)
    k1, k2, k3, k4, k5 = jax.random.split(key, 5)
    vertex_attr = jax.random.normal(k1, (N, D), dtype=jnp.float32)
    edgeij_pair = jax.random.randint(k2, (2, E), 0, N, dtype=jnp.int32)
    edge_attr = jax.random.normal(k3, (E, DE), dtype=jnp.float32)
    g = jax.random.uniform(k4, (3,), dtype=jnp.float32)
    batch = jnp.sort(jax.random.randint(k5, (N,), 0, 16, dtype=jnp.int32))
    return {
        "vertex_attr": vertex_attr,
        "edgeij_pair": edgeij_pair,
        "edge_attr": edge_attr,
        "g": g,
        "batch": batch,
    }


def reference(vertex_attr, edgeij_pair, edge_attr, g, batch):
    # vertex_to_global_aggregation_function == global mean over vertex_attr
    n = g[0]
    lambda_max = g[2]
    ybar = jnp.mean(vertex_attr)  # vertex-to-global aggregation (scalar)
    n_A = ybar
    return jnp.stack([n, n_A, lambda_max])

if __name__ == "__main__":
    import jax
    _d = setup_inputs()
    print(jax.jit(kernel)(*tuple(_d.values())))

</pallas_src>

<mosaic_0001>
#map = affine_map<(d0, d1) -> (0)>
#map1 = affine_map<(d0, d1) -> (0, 0)>
module attributes {stable_mosaic.version = 14 : i64} {
  func.func @_sc_mean_body(%arg0: i32, %arg1: i32, %arg2: memref<1280000xf32, #tpu.memory_space<hbm>>, %arg3: memref<3xf32, #tpu.memory_space<hbm>>, %arg4: memref<16x16xf32, #tpu.memory_space<hbm>>, %arg5: memref<3xf32, #tpu.memory_space<hbm>>, %arg6: memref<20000xf32, #tpu.memory_space<vmem>>, %arg7: memref<20000xf32, #tpu.memory_space<vmem>>, %arg8: memref<16xf32, #tpu.memory_space<vmem>>, %arg9: memref<16x16xf32, #tpu.memory_space<vmem>>, %arg10: memref<16xf32, #tpu.memory_space<vmem>>, %arg11: memref<!tpu.dma_semaphore, #tpu.memory_space<semaphore_mem>>, %arg12: memref<!tpu.dma_semaphore, #tpu.memory_space<semaphore_mem>>, %arg13: memref<!tpu.dma_semaphore, #tpu.memory_space<semaphore_mem>>) attributes {dimension_semantics = [#tpu.dimension_semantics<core_parallel>, #tpu.dimension_semantics<subcore_parallel>], iteration_bounds = array<i64: 1, 16>, scalar_prefetch = 0 : i64, scratch_operands = 8 : i64, tpu.core_type = #tpu.core_type<sc_vector_subcore>, window_params = [{transform_indices = #map}, {transform_indices = #map}, {transform_indices = #map1}, {transform_indices = #map}]} {
    %mul3A = arith.constant 80000 : i32
    %mul3A_0 = arith.muli %arg1, %mul3A : i32
    %add3A = arith.constant 0 : i32
    %add3A_1 = arith.addi %mul3A_0, %add3A : i32
    %dma_start3A = tpu.memref_slice %arg2[%add3A_1] : memref<1280000xf32, #tpu.memory_space<hbm>> -> memref<20000xf32, #tpu.memory_space<hbm>>
    %dma_start3A_2 = tpu.memref_slice %arg2[%add3A_1] : memref<1280000xf32, #tpu.memory_space<hbm>> -> memref<20000xf32, #tpu.memory_space<hbm>>
    tpu.enqueue_dma source(%dma_start3A_2 : memref<20000xf32, #tpu.memory_space<hbm>>) target(%arg6 : memref<20000xf32, #tpu.memory_space<vmem>>) target_semaphore(%arg11 : memref<!tpu.dma_semaphore, #tpu.memory_space<semaphore_mem>>)
    %add3A_3 = arith.constant 20000 : i32
    %add3A_4 = arith.addi %mul3A_0, %add3A_3 : i32
    %dma_start3A_5 = tpu.memref_slice %arg2[%add3A_4] : memref<1280000xf32, #tpu.memory_space<hbm>> -> memref<20000xf32, #tpu.memory_space<hbm>>
    %dma_start3A_6 = tpu.memref_slice %arg2[%add3A_4] : memref<1280000xf32, #tpu.memory_space<hbm>> -> memref<20000xf32, #tpu.memory_space<hbm>>
    tpu.enqueue_dma source(%dma_start3A_6 : memref<20000xf32, #tpu.memory_space<hbm>>) target(%arg7 : memref<20000xf32, #tpu.memory_space<vmem>>) target_semaphore(%arg12 : memref<!tpu.dma_semaphore, #tpu.memory_space<semaphore_mem>>)
    %dma_start3A_7 = arith.constant 0 : i32
    %dma_start3A_8 = tpu.memref_slice %arg10[%dma_start3A_7] : memref<16xf32, #tpu.memory_space<vmem>> -> memref<3xf32, #tpu.memory_space<vmem>>
    %dma_start3A_9 = arith.constant 0 : i32
    %dma_start3A_10 = tpu.memref_slice %arg10[%dma_start3A_9] : memref<16xf32, #tpu.memory_space<vmem>> -> memref<3xf32, #tpu.memory_space<vmem>>
    tpu.enqueue_dma source(%arg3 : memref<3xf32, #tpu.memory_space<hbm>>) target(%dma_start3A_10 : memref<3xf32, #tpu.memory_space<vmem>>) target_semaphore(%arg13 : memref<!tpu.dma_semaphore, #tpu.memory_space<semaphore_mem>>)
    %broadcast_in_dim3A = arith.constant 0.000000e+00 : f32
    %broadcast_in_dim3A_11 = vector.broadcast %broadcast_in_dim3A : f32 to vector<16xf32>
    %broadcast_in_dim3A_12 = arith.constant 0.000000e+00 : f32
    %broadcast_in_dim3A_13 = vector.broadcast %broadcast_in_dim3A_12 : f32 to vector<16xf32>
    %broadcast_in_dim3A_14 = arith.constant 0.000000e+00 : f32
    %broadcast_in_dim3A_15 = vector.broadcast %broadcast_in_dim3A_14 : f32 to vector<16xf32>
    %broadcast_in_dim3A_16 = arith.constant 0.000000e+00 : f32
    %broadcast_in_dim3A_17 = vector.broadcast %broadcast_in_dim3A_16 : f32 to vector<16xf32>
    %broadcast_in_dim3A_18 = arith.constant 0.000000e+00 : f32
    %broadcast_in_dim3A_19 = vector.broadcast %broadcast_in_dim3A_18 : f32 to vector<16xf32>
    %broadcast_in_dim3A_20 = arith.constant 0.000000e+00 : f32
    %broadcast_in_dim3A_21 = vector.broadcast %broadcast_in_dim3A_20 : f32 to vector<16xf32>
    %broadcast_in_dim3A_22 = arith.constant 0.000000e+00 : f32
    %broadcast_in_dim3A_23 = vector.broadcast %broadcast_in_dim3A_22 : f32 to vector<16xf32>
    %broadcast_in_dim3A_24 = arith.constant 0.000000e+00 : f32
    %broadcast_in_dim3A_25 = vector.broadcast %broadcast_in_dim3A_24 : f32 to vector<16xf32>
    %broadcast_in_dim3A_26 = arith.constant 0.000000e+00 : f32
    %broadcast_in_dim3A_27 = vector.broadcast %broadcast_in_dim3A_26 : f32 to vector<16xf32>
    %broadcast_in_dim3A_28 = arith.constant 0.000000e+00 : f32
    %broadcast_in_dim3A_29 = vector.broadcast %broadcast_in_dim3A_28 : f32 to vector<16xf32>
    %dma_wait3A = tpu.memref_slice %arg2[%add3A_1] : memref<1280000xf32, #tpu.memory_space<hbm>> -> memref<20000xf32, #tpu.memory_space<hbm>>
    %dma_wait3A_30 = tpu.memref_slice %arg2[%add3A_1] : memref<1280000xf32, #tpu.memory_space<hbm>> -> memref<20000xf32, #tpu.memory_space<hbm>>
    tpu.wait_dma2 semaphore(%arg11 : memref<!tpu.dma_semaphore, #tpu.memory_space<semaphore_mem>>) src(%dma_wait3A_30 : memref<20000xf32, #tpu.memory_space<hbm>>) dst(%arg6 : memref<20000xf32, #tpu.memory_space<vmem>>)
    %parallel_loop3A = arith.constant 0 : i32
    %parallel_loop3A_31 = arith.constant 20000 : i32
    %parallel_loop3A_32 = arith.constant 160 : i32
    %parallel_loop3A_33:10 = scf.for %parallel_loop3A_78 = %parallel_loop3A to %parallel_loop3A_31 step %parallel_loop3A_32 iter_args(%parallel_loop3A_79 = %broadcast_in_dim3A_11, %parallel_loop3A_80 = %broadcast_in_dim3A_13, %parallel_loop3A_81 = %broadcast_in_dim3A_15, %parallel_loop3A_82 = %broadcast_in_dim3A_17, %parallel_loop3A_83 = %broadcast_in_dim3A_19, %parallel_loop3A_84 = %broadcast_in_dim3A_21, %parallel_loop3A_85 = %broadcast_in_dim3A_23, %parallel_loop3A_86 = %broadcast_in_dim3A_25, %parallel_loop3A_87 = %broadcast_in_dim3A_27, %parallel_loop3A_88 = %broadcast_in_dim3A_29) -> (vector<16xf32>, vector<16xf32>, vector<16xf32>, vector<16xf32>, vector<16xf32>, vector<16xf32>, vector<16xf32>, vector<16xf32>, vector<16xf32>, vector<16xf32>)  : i32 {
      %parallel_loop3A_89 = arith.constant 0 : i32
      %parallel_loop3A_90 = arith.addi %parallel_loop3A_78, %parallel_loop3A_89 : i32
      %parallel_loop3A_91 = arith.index_cast %parallel_loop3A_90 : i32 to index
      %parallel_loop3A_92 = tpu.vector_load %arg6[%parallel_loop3A_91] {strides = array<i32>} : memref<20000xf32, #tpu.memory_space<vmem>>, vector<16xf32>,
      %parallel_loop3A_93 = vector.shape_cast %parallel_loop3A_92 : vector<16xf32> to vector<16xf32>
      %parallel_loop3A_94 = arith.addf %parallel_loop3A_79, %parallel_loop3A_93 : vector<16xf32>
      %parallel_loop3A_95 = arith.constant 16 : i32
      %parallel_loop3A_96 = arith.addi %parallel_loop3A_78, %parallel_loop3A_95 : i32
      %parallel_loop3A_97 = arith.index_cast %parallel_loop3A_96 : i32 to index
      %parallel_loop3A_98 = tpu.vector_load %arg6[%parallel_loop3A_97] {strides = array<i32>} : memref<20000xf32, #tpu.memory_space<vmem>>, vector<16xf32>,
      %parallel_loop3A_99 = vector.shape_cast %parallel_loop3A_98 : vector<16xf32> to vector<16xf32>
      %parallel_loop3A_100 = arith.addf %parallel_loop3A_80, %parallel_loop3A_99 : vector<16xf32>
      %parallel_loop3A_101 = arith.constant 32 : i32
      %parallel_loop3A_102 = arith.addi %parallel_loop3A_78, %parallel_loop3A_101 : i32
      %parallel_loop3A_103 = arith.index_cast %parallel_loop3A_102 : i32 to index
      %parallel_loop3A_104 = tpu.vector_load %arg6[%parallel_loop3A_103] {strides = array<i32>} : memref<20000xf32, #tpu.memory_space<vmem>>, vector<16xf32>,
      %parallel_loop3A_105 = vector.shape_cast %parallel_loop3A_104 : vector<16xf32> to vector<16xf32>
      %parallel_loop3A_106 = arith.addf %parallel_loop3A_81, %parallel_loop3A_105 : vector<16xf32>
      %parallel_loop3A_107 = arith.constant 48 : i32
      %parallel_loop3A_108 = arith.addi %parallel_loop3A_78, %parallel_loop3A_107 : i32
      %parallel_loop3A_109 = arith.index_cast %parallel_loop3A_108 : i32 to index
      %parallel_loop3A_110 = tpu.vector_load %arg6[%parallel_loop3A_109] {strides = array<i32>} : memref<20000xf32, #tpu.memory_space<vmem>>, vector<16xf32>,
      %parallel_loop3A_111 = vector.shape_cast %parallel_loop3A_110 : vector<16xf32> to vector<16xf32>
      %parallel_loop3A_112 = arith.addf %parallel_loop3A_82, %parallel_loop3A_111 : vector<16xf32>
      %parallel_loop3A_113 = arith.constant 64 : i32
      %parallel_loop3A_114 = arith.addi %parallel_loop3A_78, %parallel_loop3A_113 : i32
      %parallel_loop3A_115 = arith.index_cast %parallel_loop3A_114 : i32 to index
      %parallel_loop3A_116 = tpu.vector_load %arg6[%parallel_loop3A_115] {strides = array<i32>} : memref<20000xf32, #tpu.memory_space<vmem>>, vector<16xf32>,
      %parallel_loop3A_117 = vector.shape_cast %parallel_loop3A_116 : vector<16xf32> to vector<16xf32>
      %parallel_loop3A_118 = arith.addf %parallel_loop3A_83, %parallel_loop3A_117 : vector<16xf32>
      %parallel_loop3A_119 = arith.constant 80 : i32
      %parallel_loop3A_120 = arith.addi %parallel_loop3A_78, %parallel_loop3A_119 : i32
      %parallel_loop3A_121 = arith.index_cast %parallel_loop3A_120 : i32 to index
      %parallel_loop3A_122 = tpu.vector_load %arg6[%parallel_loop3A_121] {strides = array<i32>} : memref<20000xf32, #tpu.memory_space<vmem>>, vector<16xf32>,
      %parallel_loop3A_123 = vector.shape_cast %parallel_loop3A_122 : vector<16xf32> to vector<16xf32>
      %parallel_loop3A_124 = arith.addf %parallel_loop3A_84, %parallel_loop3A_123 : vector<16xf32>
      %parallel_loop3A_125 = arith.constant 96 : i32
      %parallel_loop3A_126 = arith.addi %parallel_loop3A_78, %parallel_loop3A_125 : i32
      %parallel_loop3A_127 = arith.index_cast %parallel_loop3A_126 : i32 to index
      %parallel_loop3A_128 = tpu.vector_load %arg6[%parallel_loop3A_127] {strides = array<i32>} : memref<20000xf32, #tpu.memory_space<vmem>>, vector<16xf32>,
      %parallel_loop3A_129 = vector.shape_cast %parallel_loop3A_128 : vector<16xf32> to vector<16xf32>
      %parallel_loop3A_130 = arith.addf %parallel_loop3A_85, %parallel_loop3A_129 : vector<16xf32>
      %parallel_loop3A_131 = arith.constant 112 : i32
      %parallel_loop3A_132 = arith.addi %parallel_loop3A_78, %parallel_loop3A_131 : i32
      %parallel_loop3A_133 = arith.index_cast %parallel_loop3A_132 : i32 to index
      %parallel_loop3A_134 = tpu.vector_load %arg6[%parallel_loop3A_133] {strides = array<i32>} : memref<20000xf32, #tpu.memory_space<vmem>>, vector<16xf32>,
      %parallel_loop3A_135 = vector.shape_cast %parallel_loop3A_134 : vector<16xf32> to vector<16xf32>
      %parallel_loop3A_136 = arith.addf %parallel_loop3A_86, %parallel_loop3A_135 : vector<16xf32>
      %parallel_loop3A_137 = arith.constant 128 : i32
      %parallel_loop3A_138 = arith.addi %parallel_loop3A_78, %parallel_loop3A_137 : i32
      %parallel_loop3A_139 = arith.index_cast %parallel_loop3A_138 : i32 to index
      %parallel_loop3A_140 = tpu.vector_load %arg6[%parallel_loop3A_139] {strides = array<i32>} : memref<20000xf32, #tpu.memory_space<vmem>>, vector<16xf32>,
      %parallel_loop3A_141 = vector.shape_cast %parallel_loop3A_140 : vector<16xf32> to vector<16xf32>
      %parallel_loop3A_142 = arith.addf %parallel_loop3A_87, %parallel_loop3A_141 : vector<16xf32>
      %parallel_loop3A_143 = arith.constant 144 : i32
      %parallel_loop3A_144 = arith.addi %parallel_loop3A_78, %parallel_loop3A_143 : i32
      %parallel_loop3A_145 = arith.index_cast %parallel_loop3A_144 : i32 to index
      %parallel_loop3A_146 = tpu.vector_load %arg6[%parallel_loop3A_145] {strides = array<i32>} : memref<20000xf32, #tpu.memory_space<vmem>>, vector<16xf32>,
      %parallel_loop3A_147 = vector.shape_cast %parallel_loop3A_146 : vector<16xf32> to vector<16xf32>
      %parallel_loop3A_148 = arith.addf %parallel_loop3A_88, %parallel_loop3A_147 : vector<16xf32>
      scf.yield %parallel_loop3A_94, %parallel_loop3A_100, %parallel_loop3A_106, %parallel_loop3A_112, %parallel_loop3A_118, %parallel_loop3A_124, %parallel_loop3A_130, %parallel_loop3A_136, %parallel_loop3A_142, %parallel_loop3A_148 : vector<16xf32>, vector<16xf32>, vector<16xf32>, vector<16xf32>, vector<16xf32>, vector<16xf32>, vector<16xf32>, vector<16xf32>, vector<16xf32>, vector<16xf32>
    } {sc.loop_unroll_factor = 2 : i64, sc.parallel_access}
    %add3A_34 = arith.constant 40000 : i32
    %add3A_35 = arith.addi %mul3A_0, %add3A_34 : i32
    %dma_start3A_36 = tpu.memref_slice %arg2[%add3A_35] : memref<1280000xf32, #tpu.memory_space<hbm>> -> memref<20000xf32, #tpu.memory_space<hbm>>
    %dma_start3A_37 = tpu.memref_slice %arg2[%add3A_35] : memref<1280000xf32, #tpu.memory_space<hbm>> -> memref<20000xf32, #tpu.memory_space<hbm>>
    tpu.enqueue_dma source(%dma_start3A_37 : memref<20000xf32, #tpu.memory_space<hbm>>) target(%arg6 : memref<20000xf32, #tpu.memory_space<vmem>>) target_semaphore(%arg11 : memref<!tpu.dma_semaphore, #tpu.memory_space<semaphore_mem>>)
    %dma_wait3A_38 = tpu.memref_slice %arg2[%add3A_4] : memref<1280000xf32, #tpu.memory_space<hbm>> -> memref<20000xf32, #tpu.memory_space<hbm>>
    %dma_wait3A_39 = tpu.memref_slice %arg2[%add3A_4] : memref<1280000xf32, #tpu.memory_space<hbm>> -> memref<20000xf32, #tpu.memory_space<hbm>>
    tpu.wait_dma2 semaphore(%arg12 : memref<!tpu.dma_semaphore, #tpu.memory_space<semaphore_mem>>) src(%dma_wait3A_39 : memref<20000xf32, #tpu.memory_space<hbm>>) dst(%arg7 : memref<20000xf32, #tpu.memory_space<vmem>>)
    %parallel_loop3A_40 = arith.constant 0 : i32
    %parallel_loop3A_41 = arith.constant 20000 : i32
    %parallel_loop3A_42 = arith.constant 160 : i32
    %parallel_loop3A_43:10 = scf.for %parallel_loop3A_78 = %parallel_loop3A_40 to %parallel_loop3A_41 step %parallel_loop3A_42 iter_args(%parallel_loop3A_79 = %parallel_loop3A_33#0, %parallel_loop3A_80 = %parallel_loop3A_33#1, %parallel_loop3A_81 = %parallel_loop3A_33#2, %parallel_loop3A_82 = %parallel_loop3A_33#3, %parallel_loop3A_83 = %parallel_loop3A_33#4, %parallel_loop3A_84 = %parallel_loop3A_33#5, %parallel_loop3A_85 = %parallel_loop3A_33#6, %parallel_loop3A_86 = %parallel_loop3A_33#7, %parallel_loop3A_87 = %parallel_loop3A_33#8, %parallel_loop3A_88 = %parallel_loop3A_33#9) -> (vector<16xf32>, vector<16xf32>, vector<16xf32>, vector<16xf32>, vector<16xf32>, vector<16xf32>, vector<16xf32>, vector<16xf32>, vector<16xf32>, vector<16xf32>)  : i32 {
      %parallel_loop3A_89 = arith.constant 0 : i32
      %parallel_loop3A_90 = arith.addi %parallel_loop3A_78, %parallel_loop3A_89 : i32
      %parallel_loop3A_91 = arith.index_cast %parallel_loop3A_90 : i32 to index
      %parallel_loop3A_92 = tpu.vector_load %arg7[%parallel_loop3A_91] {strides = array<i32>} : memref<20000xf32, #tpu.memory_space<vmem>>, vector<16xf32>,
      %parallel_loop3A_93 = vector.shape_cast %parallel_loop3A_92 : vector<16xf32> to vector<16xf32>
      %parallel_loop3A_94 = arith.addf %parallel_loop3A_79, %parallel_loop3A_93 : vector<16xf32>
      %parallel_loop3A_95 = arith.constant 16 : i32
      %parallel_loop3A_96 = arith.addi %parallel_loop3A_78, %parallel_loop3A_95 : i32
      %parallel_loop3A_97 = arith.index_cast %parallel_loop3A_96 : i32 to index
      %parallel_loop3A_98 = tpu.vector_load %arg7[%parallel_loop3A_97] {strides = array<i32>} : memref<20000xf32, #tpu.memory_space<vmem>>, vector<16xf32>,
      %parallel_loop3A_99 = vector.shape_cast %parallel_loop3A_98 : vector<16xf32> to vector<16xf32>
      %parallel_loop3A_100 = arith.addf %parallel_loop3A_80, %parallel_loop3A_99 : vector<16xf32>
      %parallel_loop3A_101 = arith.constant 32 : i32
      %parallel_loop3A_102 = arith.addi %parallel_loop3A_78, %parallel_loop3A_101 : i32
      %parallel_loop3A_103 = arith.index_cast %parallel_loop3A_102 : i32 to index
      %parallel_loop3A_104 = tpu.vector_load %arg7[%parallel_loop3A_103] {strides = array<i32>} : memref<20000xf32, #tpu.memory_space<vmem>>, vector<16xf32>,
      %parallel_loop3A_105 = vector.shape_cast %parallel_loop3A_104 : vector<16xf32> to vector<16xf32>
      %parallel_loop3A_106 = arith.addf %parallel_loop3A_81, %parallel_loop3A_105 : vector<16xf32>
      %parallel_loop3A_107 = arith.constant 48 : i32
      %parallel_loop3A_108 = arith.addi %parallel_loop3A_78, %parallel_loop3A_107 : i32
      %parallel_loop3A_109 = arith.index_cast %parallel_loop3A_108 : i32 to index
      %parallel_loop3A_110 = tpu.vector_load %arg7[%parallel_loop3A_109] {strides = array<i32>} : memref<20000xf32, #tpu.memory_space<vmem>>, vector<16xf32>,
      %parallel_loop3A_111 = vector.shape_cast %parallel_loop3A_110 : vector<16xf32> to vector<16xf32>
      %parallel_loop3A_112 = arith.addf %parallel_loop3A_82, %parallel_loop3A_111 : vector<16xf32>
      %parallel_loop3A_113 = arith.constant 64 : i32
      %parallel_loop3A_114 = arith.addi %parallel_loop3A_78, %parallel_loop3A_113 : i32
      %parallel_loop3A_115 = arith.index_cast %parallel_loop3A_114 : i32 to index
      %parallel_loop3A_116 = tpu.vector_load %arg7[%parallel_loop3A_115] {strides = array<i32>} : memref<20000xf32, #tpu.memory_space<vmem>>, vector<16xf32>,
      %parallel_loop3A_117 = vector.shape_cast %parallel_loop3A_116 : vector<16xf32> to vector<16xf32>
      %parallel_loop3A_118 = arith.addf %parallel_loop3A_83, %parallel_loop3A_117 : vector<16xf32>
      %parallel_loop3A_119 = arith.constant 80 : i32
      %parallel_loop3A_120 = arith.addi %parallel_loop3A_78, %parallel_loop3A_119 : i32
      %parallel_loop3A_121 = arith.index_cast %parallel_loop3A_120 : i32 to index
      %parallel_loop3A_122 = tpu.vector_load %arg7[%parallel_loop3A_121] {strides = array<i32>} : memref<20000xf32, #tpu.memory_space<vmem>>, vector<16xf32>,
      %parallel_loop3A_123 = vector.shape_cast %parallel_loop3A_122 : vector<16xf32> to vector<16xf32>
      %parallel_loop3A_124 = arith.addf %parallel_loop3A_84, %parallel_loop3A_123 : vector<16xf32>
      %parallel_loop3A_125 = arith.constant 96 : i32
      %parallel_loop3A_126 = arith.addi %parallel_loop3A_78, %parallel_loop3A_125 : i32
      %parallel_loop3A_127 = arith.index_cast %parallel_loop3A_126 : i32 to index
      %parallel_loop3A_128 = tpu.vector_load %arg7[%parallel_loop3A_127] {strides = array<i32>} : memref<20000xf32, #tpu.memory_space<vmem>>, vector<16xf32>,
      %parallel_loop3A_129 = vector.shape_cast %parallel_loop3A_128 : vector<16xf32> to vector<16xf32>
      %parallel_loop3A_130 = arith.addf %parallel_loop3A_85, %parallel_loop3A_129 : vector<16xf32>
      %parallel_loop3A_131 = arith.constant 112 : i32
      %parallel_loop3A_132 = arith.addi %parallel_loop3A_78, %parallel_loop3A_131 : i32
      %parallel_loop3A_133 = arith.index_cast %parallel_loop3A_132 : i32 to index
      %parallel_loop3A_134 = tpu.vector_load %arg7[%parallel_loop3A_133] {strides = array<i32>} : memref<20000xf32, #tpu.memory_space<vmem>>, vector<16xf32>,
      %parallel_loop3A_135 = vector.shape_cast %parallel_loop3A_134 : vector<16xf32> to vector<16xf32>
      %parallel_loop3A_136 = arith.addf %parallel_loop3A_86, %parallel_loop3A_135 : vector<16xf32>
      %parallel_loop3A_137 = arith.constant 128 : i32
      %parallel_loop3A_138 = arith.addi %parallel_loop3A_78, %parallel_loop3A_137 : i32
      %parallel_loop3A_139 = arith.index_cast %parallel_loop3A_138 : i32 to index
      %parallel_loop3A_140 = tpu.vector_load %arg7[%parallel_loop3A_139] {strides = array<i32>} : memref<20000xf32, #tpu.memory_space<vmem>>, vector<16xf32>,
      %parallel_loop3A_141 = vector.shape_cast %parallel_loop3A_140 : vector<16xf32> to vector<16xf32>
      %parallel_loop3A_142 = arith.addf %parallel_loop3A_87, %parallel_loop3A_141 : vector<16xf32>
      %parallel_loop3A_143 = arith.constant 144 : i32
      %parallel_loop3A_144 = arith.addi %parallel_loop3A_78, %parallel_loop3A_143 : i32
      %parallel_loop3A_145 = arith.index_cast %parallel_loop3A_144 : i32 to index
      %parallel_loop3A_146 = tpu.vector_load %arg7[%parallel_loop3A_145] {strides = array<i32>} : memref<20000xf32, #tpu.memory_space<vmem>>, vector<16xf32>,
      %parallel_loop3A_147 = vector.shape_cast %parallel_loop3A_146 : vector<16xf32> to vector<16xf32>
      %parallel_loop3A_148 = arith.addf %parallel_loop3A_88, %parallel_loop3A_147 : vector<16xf32>
      scf.yield %parallel_loop3A_94, %parallel_loop3A_100, %parallel_loop3A_106, %parallel_loop3A_112, %parallel_loop3A_118, %parallel_loop3A_124, %parallel_loop3A_130, %parallel_loop3A_136, %parallel_loop3A_142, %parallel_loop3A_148 : vector<16xf32>, vector<16xf32>, vector<16xf32>, vector<16xf32>, vector<16xf32>, vector<16xf32>, vector<16xf32>, vector<16xf32>, vector<16xf32>, vector<16xf32>
    } {sc.loop_unroll_factor = 2 : i64, sc.parallel_access}
    %add3A_44 = arith.constant 60000 : i32
    %add3A_45 = arith.addi %mul3A_0, %add3A_44 : i32
    %dma_start3A_46 = tpu.memref_slice %arg2[%add3A_45] : memref<1280000xf32, #tpu.memory_space<hbm>> -> memref<20000xf32, #tpu.memory_space<hbm>>
    %dma_start3A_47 = tpu.memref_slice %arg2[%add3A_45] : memref<1280000xf32, #tpu.memory_space<hbm>> -> memref<20000xf32, #tpu.memory_space<hbm>>
    tpu.enqueue_dma source(%dma_start3A_47 : memref<20000xf32, #tpu.memory_space<hbm>>) target(%arg7 : memref<20000xf32, #tpu.memory_space<vmem>>) target_semaphore(%arg12 : memref<!tpu.dma_semaphore, #tpu.memory_space<semaphore_mem>>)
    %dma_wait3A_48 = tpu.memref_slice %arg2[%add3A_35] : memref<1280000xf32, #tpu.memory_space<hbm>> -> memref<20000xf32, #tpu.memory_space<hbm>>
    %dma_wait3A_49 = tpu.memref_slice %arg2[%add3A_35] : memref<1280000xf32, #tpu.memory_space<hbm>> -> memref<20000xf32, #tpu.memory_space<hbm>>
    tpu.wait_dma2 semaphore(%arg11 : memref<!tpu.dma_semaphore, #tpu.memory_space<semaphore_mem>>) src(%dma_wait3A_49 : memref<20000xf32, #tpu.memory_space<hbm>>) dst(%arg6 : memref<20000xf32, #tpu.memory_space<vmem>>)
    %parallel_loop3A_50 = arith.constant 0 : i32
    %parallel_loop3A_51 = arith.constant 20000 : i32
    %parallel_loop3A_52 = arith.constant 160 : i32
    %parallel_loop3A_53:10 = scf.for %parallel_loop3A_78 = %parallel_loop3A_50 to %parallel_loop3A_51 step %parallel_loop3A_52 iter_args(%parallel_loop3A_79 = %parallel_loop3A_43#0, %parallel_loop3A_80 = %parallel_loop3A_43#1, %parallel_loop3A_81 = %parallel_loop3A_43#2, %parallel_loop3A_82 = %parallel_loop3A_43#3, %parallel_loop3A_83 = %parallel_loop3A_43#4, %parallel_loop3A_84 = %parallel_loop3A_43#5, %parallel_loop3A_85 = %parallel_loop3A_43#6, %parallel_loop3A_86 = %parallel_loop3A_43#7, %parallel_loop3A_87 = %parallel_loop3A_43#8, %parallel_loop3A_88 = %parallel_loop3A_43#9) -> (vector<16xf32>, vector<16xf32>, vector<16xf32>, vector<16xf32>, vector<16xf32>, vector<16xf32>, vector<16xf32>, vector<16xf32>, vector<16xf32>, vector<16xf32>)  : i32 {
      %parallel_loop3A_89 = arith.constant 0 : i32
      %parallel_loop3A_90 = arith.addi %parallel_loop3A_78, %parallel_loop3A_89 : i32
      %parallel_loop3A_91 = arith.index_cast %parallel_loop3A_90 : i32 to index
      %parallel_loop3A_92 = tpu.vector_load %arg6[%parallel_loop3A_91] {strides = array<i32>} : memref<20000xf32, #tpu.memory_space<vmem>>, vector<16xf32>,
      %parallel_loop3A_93 = vector.shape_cast %parallel_loop3A_92 : vector<16xf32> to vector<16xf32>
      %parallel_loop3A_94 = arith.addf %parallel_loop3A_79, %parallel_loop3A_93 : vector<16xf32>
      %parallel_loop3A_95 = arith.constant 16 : i32
      %parallel_loop3A_96 = arith.addi %parallel_loop3A_78, %parallel_loop3A_95 : i32
      %parallel_loop3A_97 = arith.index_cast %parallel_loop3A_96 : i32 to index
      %parallel_loop3A_98 = tpu.vector_load %arg6[%parallel_loop3A_97] {strides = array<i32>} : memref<20000xf32, #tpu.memory_space<vmem>>, vector<16xf32>,
      %parallel_loop3A_99 = vector.shape_cast %parallel_loop3A_98 : vector<16xf32> to vector<16xf32>
      %parallel_loop3A_100 = arith.addf %parallel_loop3A_80, %parallel_loop3A_99 : vector<16xf32>
      %parallel_loop3A_101 = arith.constant 32 : i32
      %parallel_loop3A_102 = arith.addi %parallel_loop3A_78, %parallel_loop3A_101 : i32
      %parallel_loop3A_103 = arith.index_cast %parallel_loop3A_102 : i32 to index
      %parallel_loop3A_104 = tpu.vector_load %arg6[%parallel_loop3A_103] {strides = array<i32>} : memref<20000xf32, #tpu.memory_space<vmem>>, vector<16xf32>,
      %parallel_loop3A_105 = vector.shape_cast %parallel_loop3A_104 : vector<16xf32> to vector<16xf32>
      %parallel_loop3A_106 = arith.addf %parallel_loop3A_81, %parallel_loop3A_105 : vector<16xf32>
      %parallel_loop3A_107 = arith.constant 48 : i32
      %parallel_loop3A_108 = arith.addi %parallel_loop3A_78, %parallel_loop3A_107 : i32
      %parallel_loop3A_109 = arith.index_cast %parallel_loop3A_108 : i32 to index
      %parallel_loop3A_110 = tpu.vector_load %arg6[%parallel_loop3A_109] {strides = array<i32>} : memref<20000xf32, #tpu.memory_space<vmem>>, vector<16xf32>,
      %parallel_loop3A_111 = vector.shape_cast %parallel_loop3A_110 : vector<16xf32> to vector<16xf32>
      %parallel_loop3A_112 = arith.addf %parallel_loop3A_82, %parallel_loop3A_111 : vector<16xf32>
      %parallel_loop3A_113 = arith.constant 64 : i32
      %parallel_loop3A_114 = arith.addi %parallel_loop3A_78, %parallel_loop3A_113 : i32
      %parallel_loop3A_115 = arith.index_cast %parallel_loop3A_114 : i32 to index
      %parallel_loop3A_116 = tpu.vector_load %arg6[%parallel_loop3A_115] {strides = array<i32>} : memref<20000xf32, #tpu.memory_space<vmem>>, vector<16xf32>,
      %parallel_loop3A_117 = vector.shape_cast %parallel_loop3A_116 : vector<16xf32> to vector<16xf32>
      %parallel_loop3A_118 = arith.addf %parallel_loop3A_83, %parallel_loop3A_117 : vector<16xf32>
      %parallel_loop3A_119 = arith.constant 80 : i32
      %parallel_loop3A_120 = arith.addi %parallel_loop3A_78, %parallel_loop3A_119 : i32
      %parallel_loop3A_121 = arith.index_cast %parallel_loop3A_120 : i32 to index
      %parallel_loop3A_122 = tpu.vector_load %arg6[%parallel_loop3A_121] {strides = array<i32>} : memref<20000xf32, #tpu.memory_space<vmem>>, vector<16xf32>,
      %parallel_loop3A_123 = vector.shape_cast %parallel_loop3A_122 : vector<16xf32> to vector<16xf32>
      %parallel_loop3A_124 = arith.addf %parallel_loop3A_84, %parallel_loop3A_123 : vector<16xf32>
      %parallel_loop3A_125 = arith.constant 96 : i32
      %parallel_loop3A_126 = arith.addi %parallel_loop3A_78, %parallel_loop3A_125 : i32
      %parallel_loop3A_127 = arith.index_cast %parallel_loop3A_126 : i32 to index
      %parallel_loop3A_128 = tpu.vector_load %arg6[%parallel_loop3A_127] {strides = array<i32>} : memref<20000xf32, #tpu.memory_space<vmem>>, vector<16xf32>,
      %parallel_loop3A_129 = vector.shape_cast %parallel_loop3A_128 : vector<16xf32> to vector<16xf32>
      %parallel_loop3A_130 = arith.addf %parallel_loop3A_85, %parallel_loop3A_129 : vector<16xf32>
      %parallel_loop3A_131 = arith.constant 112 : i32
      %parallel_loop3A_132 = arith.addi %parallel_loop3A_78, %parallel_loop3A_131 : i32
      %parallel_loop3A_133 = arith.index_cast %parallel_loop3A_132 : i32 to index
      %parallel_loop3A_134 = tpu.vector_load %arg6[%parallel_loop3A_133] {strides = array<i32>} : memref<20000xf32, #tpu.memory_space<vmem>>, vector<16xf32>,
      %parallel_loop3A_135 = vector.shape_cast %parallel_loop3A_134 : vector<16xf32> to vector<16xf32>
      %parallel_loop3A_136 = arith.addf %parallel_loop3A_86, %parallel_loop3A_135 : vector<16xf32>
      %parallel_loop3A_137 = arith.constant 128 : i32
      %parallel_loop3A_138 = arith.addi %parallel_loop3A_78, %parallel_loop3A_137 : i32
      %parallel_loop3A_139 = arith.index_cast %parallel_loop3A_138 : i32 to index
      %parallel_loop3A_140 = tpu.vector_load %arg6[%parallel_loop3A_139] {strides = array<i32>} : memref<20000xf32, #tpu.memory_space<vmem>>, vector<16xf32>,
      %parallel_loop3A_141 = vector.shape_cast %parallel_loop3A_140 : vector<16xf32> to vector<16xf32>
      %parallel_loop3A_142 = arith.addf %parallel_loop3A_87, %parallel_loop3A_141 : vector<16xf32>
      %parallel_loop3A_143 = arith.constant 144 : i32
      %parallel_loop3A_144 = arith.addi %parallel_loop3A_78, %parallel_loop3A_143 : i32
      %parallel_loop3A_145 = arith.index_cast %parallel_loop3A_144 : i32 to index
      %parallel_loop3A_146 = tpu.vector_load %arg6[%parallel_loop3A_145] {strides = array<i32>} : memref<20000xf32, #tpu.memory_space<vmem>>, vector<16xf32>,
      %parallel_loop3A_147 = vector.shape_cast %parallel_loop3A_146 : vector<16xf32> to vector<16xf32>
      %parallel_loop3A_148 = arith.addf %parallel_loop3A_88, %parallel_loop3A_147 : vector<16xf32>
      scf.yield %parallel_loop3A_94, %parallel_loop3A_100, %parallel_loop3A_106, %parallel_loop3A_112, %parallel_loop3A_118, %parallel_loop3A_124, %parallel_loop3A_130, %parallel_loop3A_136, %parallel_loop3A_142, %parallel_loop3A_148 : vector<16xf32>, vector<16xf32>, vector<16xf32>, vector<16xf32>, vector<16xf32>, vector<16xf32>, vector<16xf32>, vector<16xf32>, vector<16xf32>, vector<16xf32>
    } {sc.loop_unroll_factor = 2 : i64, sc.parallel_access}
    %dma_wait3A_54 = tpu.memref_slice %arg2[%add3A_45] : memref<1280000xf32, #tpu.memory_space<hbm>> -> memref<20000xf32, #tpu.memory_space<hbm>>
    %dma_wait3A_55 = tpu.memref_slice %arg2[%add3A_45] : memref<1280000xf32, #tpu.memory_space<hbm>> -> memref<20000xf32, #tpu.memory_space<hbm>>
    tpu.wait_dma2 semaphore(%arg12 : memref<!tpu.dma_semaphore, #tpu.memory_space<semaphore_mem>>) src(%dma_wait3A_55 : memref<20000xf32, #tpu.memory_space<hbm>>) dst(%arg7 : memref<20000xf32, #tpu.memory_space<vmem>>)
    %parallel_loop3A_56 = arith.constant 0 : i32
    %parallel_loop3A_57 = arith.constant 20000 : i32
    %parallel_loop3A_58 = arith.constant 160 : i32
    %parallel_loop3A_59:10 = scf.for %parallel_loop3A_78 = %parallel_loop3A_56 to %parallel_loop3A_57 step %parallel_loop3A_58 iter_args(%parallel_loop3A_79 = %parallel_loop3A_53#0, %parallel_loop3A_80 = %parallel_loop3A_53#1, %parallel_loop3A_81 = %parallel_loop3A_53#2, %parallel_loop3A_82 = %parallel_loop3A_53#3, %parallel_loop3A_83 = %parallel_loop3A_53#4, %parallel_loop3A_84 = %parallel_loop3A_53#5, %parallel_loop3A_85 = %parallel_loop3A_53#6, %parallel_loop3A_86 = %parallel_loop3A_53#7, %parallel_loop3A_87 = %parallel_loop3A_53#8, %parallel_loop3A_88 = %parallel_loop3A_53#9) -> (vector<16xf32>, vector<16xf32>, vector<16xf32>, vector<16xf32>, vector<16xf32>, vector<16xf32>, vector<16xf32>, vector<16xf32>, vector<16xf32>, vector<16xf32>)  : i32 {
      %parallel_loop3A_89 = arith.constant 0 : i32
      %parallel_loop3A_90 = arith.addi %parallel_loop3A_78, %parallel_loop3A_89 : i32
      %parallel_loop3A_91 = arith.index_cast %parallel_loop3A_90 : i32 to index
      %parallel_loop3A_92 = tpu.vector_load %arg7[%parallel_loop3A_91] {strides = array<i32>} : memref<20000xf32, #tpu.memory_space<vmem>>, vector<16xf32>,
      %parallel_loop3A_93 = vector.shape_cast %parallel_loop3A_92 : vector<16xf32> to vector<16xf32>
      %parallel_loop3A_94 = arith.addf %parallel_loop3A_79, %parallel_loop3A_93 : vector<16xf32>
      %parallel_loop3A_95 = arith.constant 16 : i32
      %parallel_loop3A_96 = arith.addi %parallel_loop3A_78, %parallel_loop3A_95 : i32
      %parallel_loop3A_97 = arith.index_cast %parallel_loop3A_96 : i32 to index
      %parallel_loop3A_98 = tpu.vector_load %arg7[%parallel_loop3A_97] {strides = array<i32>} : memref<20000xf32, #tpu.memory_space<vmem>>, vector<16xf32>,
      %parallel_loop3A_99 = vector.shape_cast %parallel_loop3A_98 : vector<16xf32> to vector<16xf32>
      %parallel_loop3A_100 = arith.addf %parallel_loop3A_80, %parallel_loop3A_99 : vector<16xf32>
      %parallel_loop3A_101 = arith.constant 32 : i32
      %parallel_loop3A_102 = arith.addi %parallel_loop3A_78, %parallel_loop3A_101 : i32
      %parallel_loop3A_103 = arith.index_cast %parallel_loop3A_102 : i32 to index
      %parallel_loop3A_104 = tpu.vector_load %arg7[%parallel_loop3A_103] {strides = array<i32>} : memref<20000xf32, #tpu.memory_space<vmem>>, vector<16xf32>,
      %parallel_loop3A_105 = vector.shape_cast %parallel_loop3A_104 : vector<16xf32> to vector<16xf32>
      %parallel_loop3A_106 = arith.addf %parallel_loop3A_81, %parallel_loop3A_105 : vector<16xf32>
      %parallel_loop3A_107 = arith.constant 48 : i32
      %parallel_loop3A_108 = arith.addi %parallel_loop3A_78, %parallel_loop3A_107 : i32
      %parallel_loop3A_109 = arith.index_cast %parallel_loop3A_108 : i32 to index
      %parallel_loop3A_110 = tpu.vector_load %arg7[%parallel_loop3A_109] {strides = array<i32>} : memref<20000xf32, #tpu.memory_space<vmem>>, vector<16xf32>,
      %parallel_loop3A_111 = vector.shape_cast %parallel_loop3A_110 : vector<16xf32> to vector<16xf32>
      %parallel_loop3A_112 = arith.addf %parallel_loop3A_82, %parallel_loop3A_111 : vector<16xf32>
      %parallel_loop3A_113 = arith.constant 64 : i32
      %parallel_loop3A_114 = arith.addi %parallel_loop3A_78, %parallel_loop3A_113 : i32
      %parallel_loop3A_115 = arith.index_cast %parallel_loop3A_114 : i32 to index
      %parallel_loop3A_116 = tpu.vector_load %arg7[%parallel_loop3A_115] {strides = array<i32>} : memref<20000xf32, #tpu.memory_space<vmem>>, vector<16xf32>,
      %parallel_loop3A_117 = vector.shape_cast %parallel_loop3A_116 : vector<16xf32> to vector<16xf32>
      %parallel_loop3A_118 = arith.addf %parallel_loop3A_83, %parallel_loop3A_117 : vector<16xf32>
      %parallel_loop3A_119 = arith.constant 80 : i32
      %parallel_loop3A_120 = arith.addi %parallel_loop3A_78, %parallel_loop3A_119 : i32
      %parallel_loop3A_121 = arith.index_cast %parallel_loop3A_120 : i32 to index
      %parallel_loop3A_122 = tpu.vector_load %arg7[%parallel_loop3A_121] {strides = array<i32>} : memref<20000xf32, #tpu.memory_space<vmem>>, vector<16xf32>,
      %parallel_loop3A_123 = vector.shape_cast %parallel_loop3A_122 : vector<16xf32> to vector<16xf32>
      %parallel_loop3A_124 = arith.addf %parallel_loop3A_84, %parallel_loop3A_123 : vector<16xf32>
      %parallel_loop3A_125 = arith.constant 96 : i32
      %parallel_loop3A_126 = arith.addi %parallel_loop3A_78, %parallel_loop3A_125 : i32
      %parallel_loop3A_127 = arith.index_cast %parallel_loop3A_126 : i32 to index
      %parallel_loop3A_128 = tpu.vector_load %arg7[%parallel_loop3A_127] {strides = array<i32>} : memref<20000xf32, #tpu.memory_space<vmem>>, vector<16xf32>,
      %parallel_loop3A_129 = vector.shape_cast %parallel_loop3A_128 : vector<16xf32> to vector<16xf32>
      %parallel_loop3A_130 = arith.addf %parallel_loop3A_85, %parallel_loop3A_129 : vector<16xf32>
      %parallel_loop3A_131 = arith.constant 112 : i32
      %parallel_loop3A_132 = arith.addi %parallel_loop3A_78, %parallel_loop3A_131 : i32
      %parallel_loop3A_133 = arith.index_cast %parallel_loop3A_132 : i32 to index
      %parallel_loop3A_134 = tpu.vector_load %arg7[%parallel_loop3A_133] {strides = array<i32>} : memref<20000xf32, #tpu.memory_space<vmem>>, vector<16xf32>,
      %parallel_loop3A_135 = vector.shape_cast %parallel_loop3A_134 : vector<16xf32> to vector<16xf32>
      %parallel_loop3A_136 = arith.addf %parallel_loop3A_86, %parallel_loop3A_135 : vector<16xf32>
      %parallel_loop3A_137 = arith.constant 128 : i32
      %parallel_loop3A_138 = arith.addi %parallel_loop3A_78, %parallel_loop3A_137 : i32
      %parallel_loop3A_139 = arith.index_cast %parallel_loop3A_138 : i32 to index
      %parallel_loop3A_140 = tpu.vector_load %arg7[%parallel_loop3A_139] {strides = array<i32>} : memref<20000xf32, #tpu.memory_space<vmem>>, vector<16xf32>,
      %parallel_loop3A_141 = vector.shape_cast %parallel_loop3A_140 : vector<16xf32> to vector<16xf32>
      %parallel_loop3A_142 = arith.addf %parallel_loop3A_87, %parallel_loop3A_141 : vector<16xf32>
      %parallel_loop3A_143 = arith.constant 144 : i32
      %parallel_loop3A_144 = arith.addi %parallel_loop3A_78, %parallel_loop3A_143 : i32
      %parallel_loop3A_145 = arith.index_cast %parallel_loop3A_144 : i32 to index
      %parallel_loop3A_146 = tpu.vector_load %arg7[%parallel_loop3A_145] {strides = array<i32>} : memref<20000xf32, #tpu.memory_space<vmem>>, vector<16xf32>,
      %parallel_loop3A_147 = vector.shape_cast %parallel_loop3A_146 : vector<16xf32> to vector<16xf32>
      %parallel_loop3A_148 = arith.addf %parallel_loop3A_88, %parallel_loop3A_147 : vector<16xf32>
      scf.yield %parallel_loop3A_94, %parallel_loop3A_100, %parallel_loop3A_106, %parallel_loop3A_112, %parallel_loop3A_118, %parallel_loop3A_124, %parallel_loop3A_130, %parallel_loop3A_136, %parallel_loop3A_142, %parallel_loop3A_148 : vector<16xf32>, vector<16xf32>, vector<16xf32>, vector<16xf32>, vector<16xf32>, vector<16xf32>, vector<16xf32>, vector<16xf32>, vector<16xf32>, vector<16xf32>
    } {sc.loop_unroll_factor = 2 : i64, sc.parallel_access}
    %add3A_60 = arith.addf %parallel_loop3A_59#0, %parallel_loop3A_59#5 : vector<16xf32>
    %add3A_61 = arith.addf %parallel_loop3A_59#1, %parallel_loop3A_59#6 : vector<16xf32>
    %add3A_62 = arith.addf %parallel_loop3A_59#2, %parallel_loop3A_59#7 : vector<16xf32>
    %add3A_63 = arith.addf %parallel_loop3A_59#3, %parallel_loop3A_59#8 : vector<16xf32>
    %add3A_64 = arith.addf %parallel_loop3A_59#4, %parallel_loop3A_59#9 : vector<16xf32>
    %add3A_65 = arith.addf %add3A_60, %add3A_62 : vector<16xf32>
    %add3A_66 = arith.addf %add3A_61, %add3A_63 : vector<16xf32>
    %add3A_67 = arith.addf %add3A_65, %add3A_66 : vector<16xf32>
    %add3A_68 = arith.addf %add3A_67, %add3A_64 : vector<16xf32>
    %swap3A = arith.constant 0 : index
    %swap3A_69 = tpu.vector_load %arg8[%swap3A] {strides = array<i32>} : memref<16xf32, #tpu.memory_space<vmem>>, vector<16xf32>,
    %swap3A_70 = vector.shape_cast %swap3A_69 : vector<16xf32> to vector<16xf32>
    %swap3A_71 = vector.shape_cast %add3A_68 : vector<16xf32> to vector<16xf32>
    tpu.vector_store %arg8[%swap3A], %swap3A_71 {strides = array<i32>} : memref<16xf32, #tpu.memory_space<vmem>>, vector<16xf32>,
    "tpu.region"() ({
      %run_scoped3A = tpu.sem_alloc : memref<!tpu.dma_semaphore, #tpu.memory_space<semaphore_mem>>
      %dma_start3A_78 = arith.constant 0 : i32
      %dma_start3A_79 = tpu.memref_slice %arg4[%arg1, %dma_start3A_78] : memref<16x16xf32, #tpu.memory_space<hbm>> -> memref<1x16xf32, #tpu.memory_space<hbm>>
      %dma_start3A_80 = tpu.memref_squeeze %dma_start3A_79 : memref<1x16xf32, #tpu.memory_space<hbm>> -> memref<16xf32, #tpu.memory_space<hbm>>
      %dma_start3A_81 = arith.constant 0 : i32
      %dma_start3A_82 = tpu.memref_slice %arg4[%arg1, %dma_start3A_81] : memref<16x16xf32, #tpu.memory_space<hbm>> -> memref<1x16xf32, #tpu.memory_space<hbm>>
      %dma_start3A_83 = tpu.memref_squeeze %dma_start3A_82 : memref<1x16xf32, #tpu.memory_space<hbm>> -> memref<16xf32, #tpu.memory_space<hbm>>
      tpu.enqueue_dma source(%arg8 : memref<16xf32, #tpu.memory_space<vmem>>) target(%dma_start3A_83 : memref<16xf32, #tpu.memory_space<hbm>>) target_semaphore(%run_scoped3A : memref<!tpu.dma_semaphore, #tpu.memory_space<semaphore_mem>>)
      %dma_wait3A_84 = arith.constant 0 : i32
      %dma_wait3A_85 = tpu.memref_slice %arg4[%arg1, %dma_wait3A_84] : memref<16x16xf32, #tpu.memory_space<hbm>> -> memref<1x16xf32, #tpu.memory_space<hbm>>
      %dma_wait3A_86 = tpu.memref_squeeze %dma_wait3A_85 : memref<1x16xf32, #tpu.memory_space<hbm>> -> memref<16xf32, #tpu.memory_space<hbm>>
      %dma_wait3A_87 = arith.constant 0 : i32
      %dma_wait3A_88 = tpu.memref_slice %arg4[%arg1, %dma_wait3A_87] : memref<16x16xf32, #tpu.memory_space<hbm>> -> memref<1x16xf32, #tpu.memory_space<hbm>>
      %dma_wait3A_89 = tpu.memref_squeeze %dma_wait3A_88 : memref<1x16xf32, #tpu.memory_space<hbm>> -> memref<16xf32, #tpu.memory_space<hbm>>
      tpu.wait_dma2 semaphore(%run_scoped3A : memref<!tpu.dma_semaphore, #tpu.memory_space<semaphore_mem>>) src(%arg8 : memref<16xf32, #tpu.memory_space<vmem>>) dst(%dma_wait3A_89 : memref<16xf32, #tpu.memory_space<hbm>>)
      tpu.yield
    }) : () -> ()
    %barrier3A = arith.constant 0 : index
    tpu.barrier barrier_id(%barrier3A)
    %eq3A = arith.constant 0 : i32
    %eq3A_72 = arith.cmpi eq, %arg1, %eq3A : i32
    %convert_element_type3A = arith.extui %eq3A_72 : i1 to i32
    %cond3A = arith.constant 0 : i32
    %cond3A_73 = arith.cmpi ne, %convert_element_type3A, %cond3A : i32
    scf.if %cond3A_73 {
      "tpu.region"() ({
        %run_scoped3A = tpu.sem_alloc : memref<!tpu.dma_semaphore, #tpu.memory_space<semaphore_mem>>
        tpu.enqueue_dma source(%arg4 : memref<16x16xf32, #tpu.memory_space<hbm>>) target(%arg9 : memref<16x16xf32, #tpu.memory_space<vmem>>) target_semaphore(%run_scoped3A : memref<!tpu.dma_semaphore, #tpu.memory_space<semaphore_mem>>)
        tpu.wait_dma2 semaphore(%run_scoped3A : memref<!tpu.dma_semaphore, #tpu.memory_space<semaphore_mem>>) src(%arg4 : memref<16x16xf32, #tpu.memory_space<hbm>>) dst(%arg9 : memref<16x16xf32, #tpu.memory_space<vmem>>)
        tpu.yield
      }) : () -> ()
      %broadcast_in_dim3A_78 = arith.constant 0.000000e+00 : f32
      %broadcast_in_dim3A_79 = vector.broadcast %broadcast_in_dim3A_78 : f32 to vector<16xf32>
      %get3A = arith.constant 0 : i32
      %get3A_80 = arith.index_cast %get3A : i32 to index
      %get3A_81 = arith.constant 0 : index
      %get3A_82 = tpu.vector_load %arg9[%get3A_80, %get3A_81] {strides = array<i32>} : memref<16x16xf32, #tpu.memory_space<vmem>>, vector<1x16xf32>,
      %get3A_83 = vector.shape_cast %get3A_82 : vector<1x16xf32> to vector<16xf32>
      %add3A_84 = arith.addf %broadcast_in_dim3A_79, %get3A_83 : vector<16xf32>
      %get3A_85 = arith.constant 1 : i32
      %get3A_86 = arith.index_cast %get3A_85 : i32 to index
      %get3A_87 = arith.constant 0 : index
      %get3A_88 = tpu.vector_load %arg9[%get3A_86, %get3A_87] {strides = array<i32>} : memref<16x16xf32, #tpu.memory_space<vmem>>, vector<1x16xf32>,
      %get3A_89 = vector.shape_cast %get3A_88 : vector<1x16xf32> to vector<16xf32>
      %add3A_90 = arith.addf %add3A_84, %get3A_89 : vector<16xf32>
      %get3A_91 = arith.constant 2 : i32
      %get3A_92 = arith.index_cast %get3A_91 : i32 to index
      %get3A_93 = arith.constant 0 : index
      %get3A_94 = tpu.vector_load %arg9[%get3A_92, %get3A_93] {strides = array<i32>} : memref<16x16xf32, #tpu.memory_space<vmem>>, vector<1x16xf32>,
      %get3A_95 = vector.shape_cast %get3A_94 : vector<1x16xf32> to vector<16xf32>
      %add3A_96 = arith.addf %add3A_90, %get3A_95 : vector<16xf32>
      %get3A_97 = arith.constant 3 : i32
      %get3A_98 = arith.index_cast %get3A_97 : i32 to index
      %get3A_99 = arith.constant 0 : index
      %get3A_100 = tpu.vector_load %arg9[%get3A_98, %get3A_99] {strides = array<i32>} : memref<16x16xf32, #tpu.memory_space<vmem>>, vector<1x16xf32>,
      %get3A_101 = vector.shape_cast %get3A_100 : vector<1x16xf32> to vector<16xf32>
      %add3A_102 = arith.addf %add3A_96, %get3A_101 : vector<16xf32>
      %get3A_103 = arith.constant 4 : i32
      %get3A_104 = arith.index_cast %get3A_103 : i32 to index
      %get3A_105 = arith.constant 0 : index
      %get3A_106 = tpu.vector_load %arg9[%get3A_104, %get3A_105] {strides = array<i32>} : memref<16x16xf32, #tpu.memory_space<vmem>>, vector<1x16xf32>,
      %get3A_107 = vector.shape_cast %get3A_106 : vector<1x16xf32> to vector<16xf32>
      %add3A_108 = arith.addf %add3A_102, %get3A_107 : vector<16xf32>
      %get3A_109 = arith.constant 5 : i32
      %get3A_110 = arith.index_cast %get3A_109 : i32 to index
      %get3A_111 = arith.constant 0 : index
      %get3A_112 = tpu.vector_load %arg9[%get3A_110, %get3A_111] {strides = array<i32>} : memref<16x16xf32, #tpu.memory_space<vmem>>, vector<1x16xf32>,
      %get3A_113 = vector.shape_cast %get3A_112 : vector<1x16xf32> to vector<16xf32>
      %add3A_114 = arith.addf %add3A_108, %get3A_113 : vector<16xf32>
      %get3A_115 = arith.constant 6 : i32
      %get3A_116 = arith.index_cast %get3A_115 : i32 to index
      %get3A_117 = arith.constant 0 : index
      %get3A_118 = tpu.vector_load %arg9[%get3A_116, %get3A_117] {strides = array<i32>} : memref<16x16xf32, #tpu.memory_space<vmem>>, vector<1x16xf32>,
      %get3A_119 = vector.shape_cast %get3A_118 : vector<1x16xf32> to vector<16xf32>
      %add3A_120 = arith.addf %add3A_114, %get3A_119 : vector<16xf32>
      %get3A_121 = arith.constant 7 : i32
      %get3A_122 = arith.index_cast %get3A_121 : i32 to index
      %get3A_123 = arith.constant 0 : index
      %get3A_124 = tpu.vector_load %arg9[%get3A_122, %get3A_123] {strides = array<i32>} : memref<16x16xf32, #tpu.memory_space<vmem>>, vector<1x16xf32>,
      %get3A_125 = vector.shape_cast %get3A_124 : vector<1x16xf32> to vector<16xf32>
      %add3A_126 = arith.addf %add3A_120, %get3A_125 : vector<16xf32>
      %get3A_127 = arith.constant 8 : i32
      %get3A_128 = arith.index_cast %get3A_127 : i32 to index
      %get3A_129 = arith.constant 0 : index
      %get3A_130 = tpu.vector_load %arg9[%get3A_128, %get3A_129] {strides = array<i32>} : memref<16x16xf32, #tpu.memory_space<vmem>>, vector<1x16xf32>,
      %get3A_131 = vector.shape_cast %get3A_130 : vector<1x16xf32> to vector<16xf32>
      %add3A_132 = arith.addf %add3A_126, %get3A_131 : vector<16xf32>
      %get3A_133 = arith.constant 9 : i32
      %get3A_134 = arith.index_cast %get3A_133 : i32 to index
      %get3A_135 = arith.constant 0 : index
      %get3A_136 = tpu.vector_load %arg9[%get3A_134, %get3A_135] {strides = array<i32>} : memref<16x16xf32, #tpu.memory_space<vmem>>, vector<1x16xf32>,
      %get3A_137 = vector.shape_cast %get3A_136 : vector<1x16xf32> to vector<16xf32>
      %add3A_138 = arith.addf %add3A_132, %get3A_137 : vector<16xf32>
      %get3A_139 = arith.constant 10 : i32
      %get3A_140 = arith.index_cast %get3A_139 : i32 to index
      %get3A_141 = arith.constant 0 : index
      %get3A_142 = tpu.vector_load %arg9[%get3A_140, %get3A_141] {strides = array<i32>} : memref<16x16xf32, #tpu.memory_space<vmem>>, vector<1x16xf32>,
      %get3A_143 = vector.shape_cast %get3A_142 : vector<1x16xf32> to vector<16xf32>
      %add3A_144 = arith.addf %add3A_138, %get3A_143 : vector<16xf32>
      %get3A_145 = arith.constant 11 : i32
      %get3A_146 = arith.index_cast %get3A_145 : i32 to index
      %get3A_147 = arith.constant 0 : index
      %get3A_148 = tpu.vector_load %arg9[%get3A_146, %get3A_147] {strides = array<i32>} : memref<16x16xf32, #tpu.memory_space<vmem>>, vector<1x16xf32>,
      %get3A_149 = vector.shape_cast %get3A_148 : vector<1x16xf32> to vector<16xf32>
      %add3A_150 = arith.addf %add3A_144, %get3A_149 : vector<16xf32>
      %get3A_151 = arith.constant 12 : i32
      %get3A_152 = arith.index_cast %get3A_151 : i32 to index
      %get3A_153 = arith.constant 0 : index
      %get3A_154 = tpu.vector_load %arg9[%get3A_152, %get3A_153] {strides = array<i32>} : memref<16x16xf32, #tpu.memory_space<vmem>>, vector<1x16xf32>,
      %get3A_155 = vector.shape_cast %get3A_154 : vector<1x16xf32> to vector<16xf32>
      %add3A_156 = arith.addf %add3A_150, %get3A_155 : vector<16xf32>
      %get3A_157 = arith.constant 13 : i32
      %get3A_158 = arith.index_cast %get3A_157 : i32 to index
      %get3A_159 = arith.constant 0 : index
      %get3A_160 = tpu.vector_load %arg9[%get3A_158, %get3A_159] {strides = array<i32>} : memref<16x16xf32, #tpu.memory_space<vmem>>, vector<1x16xf32>,
      %get3A_161 = vector.shape_cast %get3A_160 : vector<1x16xf32> to vector<16xf32>
      %add3A_162 = arith.addf %add3A_156, %get3A_161 : vector<16xf32>
      %get3A_163 = arith.constant 14 : i32
      %get3A_164 = arith.index_cast %get3A_163 : i32 to index
      %get3A_165 = arith.constant 0 : index
      %get3A_166 = tpu.vector_load %arg9[%get3A_164, %get3A_165] {strides = array<i32>} : memref<16x16xf32, #tpu.memory_space<vmem>>, vector<1x16xf32>,
      %get3A_167 = vector.shape_cast %get3A_166 : vector<1x16xf32> to vector<16xf32>
      %add3A_168 = arith.addf %add3A_162, %get3A_167 : vector<16xf32>
      %get3A_169 = arith.constant 15 : i32
      %get3A_170 = arith.index_cast %get3A_169 : i32 to index
      %get3A_171 = arith.constant 0 : index
      %get3A_172 = tpu.vector_load %arg9[%get3A_170, %get3A_171] {strides = array<i32>} : memref<16x16xf32, #tpu.memory_space<vmem>>, vector<1x16xf32>,
      %get3A_173 = vector.shape_cast %get3A_172 : vector<1x16xf32> to vector<16xf32>
      %add3A_174 = arith.addf %add3A_168, %get3A_173 : vector<16xf32>
      %slice3A = vector.extract_strided_slice %add3A_174 {offsets = [0], sizes = [1], strides = [1]} : vector<16xf32> to vector<1xf32>
      %squeeze3A = vector.extract %slice3A[0] : f32 from vector<1xf32>
      %slice3A_175 = vector.extract_strided_slice %add3A_174 {offsets = [1], sizes = [1], strides = [1]} : vector<16xf32> to vector<1xf32>
      %squeeze3A_176 = vector.extract %slice3A_175[0] : f32 from vector<1xf32>
      %add3A_177 = arith.addf %squeeze3A, %squeeze3A_176 : f32
      %slice3A_178 = vector.extract_strided_slice %add3A_174 {offsets = [2], sizes = [1], strides = [1]} : vector<16xf32> to vector<1xf32>
      %squeeze3A_179 = vector.extract %slice3A_178[0] : f32 from vector<1xf32>
      %add3A_180 = arith.addf %add3A_177, %squeeze3A_179 : f32
      %slice3A_181 = vector.extract_strided_slice %add3A_174 {offsets = [3], sizes = [1], strides = [1]} : vector<16xf32> to vector<1xf32>
      %squeeze3A_182 = vector.extract %slice3A_181[0] : f32 from vector<1xf32>
      %add3A_183 = arith.addf %add3A_180, %squeeze3A_182 : f32
      %slice3A_184 = vector.extract_strided_slice %add3A_174 {offsets = [4], sizes = [1], strides = [1]} : vector<16xf32> to vector<1xf32>
      %squeeze3A_185 = vector.extract %slice3A_184[0] : f32 from vector<1xf32>
      %add3A_186 = arith.addf %add3A_183, %squeeze3A_185 : f32
      %slice3A_187 = vector.extract_strided_slice %add3A_174 {offsets = [5], sizes = [1], strides = [1]} : vector<16xf32> to vector<1xf32>
      %squeeze3A_188 = vector.extract %slice3A_187[0] : f32 from vector<1xf32>
      %add3A_189 = arith.addf %add3A_186, %squeeze3A_188 : f32
      %slice3A_190 = vector.extract_strided_slice %add3A_174 {offsets = [6], sizes = [1], strides = [1]} : vector<16xf32> to vector<1xf32>
      %squeeze3A_191 = vector.extract %slice3A_190[0] : f32 from vector<1xf32>
      %add3A_192 = arith.addf %add3A_189, %squeeze3A_191 : f32
      %slice3A_193 = vector.extract_strided_slice %add3A_174 {offsets = [7], sizes = [1], strides = [1]} : vector<16xf32> to vector<1xf32>
      %squeeze3A_194 = vector.extract %slice3A_193[0] : f32 from vector<1xf32>
      %add3A_195 = arith.addf %add3A_192, %squeeze3A_194 : f32
      %slice3A_196 = vector.extract_strided_slice %add3A_174 {offsets = [8], sizes = [1], strides = [1]} : vector<16xf32> to vector<1xf32>
      %squeeze3A_197 = vector.extract %slice3A_196[0] : f32 from vector<1xf32>
      %add3A_198 = arith.addf %add3A_195, %squeeze3A_197 : f32
      %slice3A_199 = vector.extract_strided_slice %add3A_174 {offsets = [9], sizes = [1], strides = [1]} : vector<16xf32> to vector<1xf32>
      %squeeze3A_200 = vector.extract %slice3A_199[0] : f32 from vector<1xf32>
      %add3A_201 = arith.addf %add3A_198, %squeeze3A_200 : f32
      %slice3A_202 = vector.extract_strided_slice %add3A_174 {offsets = [10], sizes = [1], strides = [1]} : vector<16xf32> to vector<1xf32>
      %squeeze3A_203 = vector.extract %slice3A_202[0] : f32 from vector<1xf32>
      %add3A_204 = arith.addf %add3A_201, %squeeze3A_203 : f32
      %slice3A_205 = vector.extract_strided_slice %add3A_174 {offsets = [11], sizes = [1], strides = [1]} : vector<16xf32> to vector<1xf32>
      %squeeze3A_206 = vector.extract %slice3A_205[0] : f32 from vector<1xf32>
      %add3A_207 = arith.addf %add3A_204, %squeeze3A_206 : f32
      %slice3A_208 = vector.extract_strided_slice %add3A_174 {offsets = [12], sizes = [1], strides = [1]} : vector<16xf32> to vector<1xf32>
      %squeeze3A_209 = vector.extract %slice3A_208[0] : f32 from vector<1xf32>
      %add3A_210 = arith.addf %add3A_207, %squeeze3A_209 : f32
      %slice3A_211 = vector.extract_strided_slice %add3A_174 {offsets = [13], sizes = [1], strides = [1]} : vector<16xf32> to vector<1xf32>
      %squeeze3A_212 = vector.extract %slice3A_211[0] : f32 from vector<1xf32>
      %add3A_213 = arith.addf %add3A_210, %squeeze3A_212 : f32
      %slice3A_214 = vector.extract_strided_slice %add3A_174 {offsets = [14], sizes = [1], strides = [1]} : vector<16xf32> to vector<1xf32>
      %squeeze3A_215 = vector.extract %slice3A_214[0] : f32 from vector<1xf32>
      %add3A_216 = arith.addf %add3A_213, %squeeze3A_215 : f32
      %slice3A_217 = vector.extract_strided_slice %add3A_174 {offsets = [15], sizes = [1], strides = [1]} : vector<16xf32> to vector<1xf32>
      %squeeze3A_218 = vector.extract %slice3A_217[0] : f32 from vector<1xf32>
      %add3A_219 = arith.addf %add3A_216, %squeeze3A_218 : f32
      %mul3A_220 = arith.constant 7.812500e-07 : f32
      %mul3A_221 = arith.mulf %add3A_219, %mul3A_220 : f32
      %dma_wait3A_222 = arith.constant 0 : i32
      %dma_wait3A_223 = tpu.memref_slice %arg10[%dma_wait3A_222] : memref<16xf32, #tpu.memory_space<vmem>> -> memref<3xf32, #tpu.memory_space<vmem>>
      %dma_wait3A_224 = arith.constant 0 : i32
      %dma_wait3A_225 = tpu.memref_slice %arg10[%dma_wait3A_224] : memref<16xf32, #tpu.memory_space<vmem>> -> memref<3xf32, #tpu.memory_space<vmem>>
      tpu.wait_dma2 semaphore(%arg13 : memref<!tpu.dma_semaphore, #tpu.memory_space<semaphore_mem>>) src(%arg3 : memref<3xf32, #tpu.memory_space<hbm>>) dst(%dma_wait3A_225 : memref<3xf32, #tpu.memory_space<vmem>>)
      %get3A_226 = arith.constant 0 : index
      %get3A_227 = tpu.vector_load %arg10[%get3A_226] {strides = array<i32>} : memref<16xf32, #tpu.memory_space<vmem>>, vector<16xf32>,
      %get3A_228 = vector.shape_cast %get3A_227 : vector<16xf32> to vector<16xf32>
      %iota3A = tpu.iota {dimensions = array<i32: 0>} : vector<16xi32>
      %eq3A_229 = arith.constant 1 : i32
      %eq3A_230 = vector.broadcast %eq3A_229 : i32 to vector<16xi32>
      %eq3A_231 = arith.cmpi eq, %iota3A, %eq3A_230 : vector<16xi32>
      %broadcast_in_dim3A_232 = vector.broadcast %mul3A_221 : f32 to vector<16xf32>
      %select_n3A = arith.select %eq3A_231, %broadcast_in_dim3A_232, %get3A_228 : vector<16xi1>, vector<16xf32>
      %swap3A_233 = arith.constant 0 : index
      %swap3A_234 = tpu.vector_load %arg8[%swap3A_233] {strides = array<i32>} : memref<16xf32, #tpu.memory_space<vmem>>, vector<16xf32>,
      %swap3A_235 = vector.shape_cast %swap3A_234 : vector<16xf32> to vector<16xf32>
      %swap3A_236 = vector.shape_cast %select_n3A : vector<16xf32> to vector<16xf32>
      tpu.vector_store %arg8[%swap3A_233], %swap3A_236 {strides = array<i32>} : memref<16xf32, #tpu.memory_space<vmem>>, vector<16xf32>,
      "tpu.region"() ({
        %run_scoped3A = tpu.sem_alloc : memref<!tpu.dma_semaphore, #tpu.memory_space<semaphore_mem>>
        %dma_start3A_237 = arith.constant 0 : i32
        %dma_start3A_238 = tpu.memref_slice %arg8[%dma_start3A_237] : memref<16xf32, #tpu.memory_space<vmem>> -> memref<3xf32, #tpu.memory_space<vmem>>
        %dma_start3A_239 = arith.constant 0 : i32
        %dma_start3A_240 = tpu.memref_slice %arg8[%dma_start3A_239] : memref<16xf32, #tpu.memory_space<vmem>> -> memref<3xf32, #tpu.memory_space<vmem>>
        tpu.enqueue_dma source(%dma_start3A_240 : memref<3xf32, #tpu.memory_space<vmem>>) target(%arg5 : memref<3xf32, #tpu.memory_space<hbm>>) target_semaphore(%run_scoped3A : memref<!tpu.dma_semaphore, #tpu.memory_space<semaphore_mem>>)
        %dma_wait3A_241 = arith.constant 0 : i32
        %dma_wait3A_242 = tpu.memref_slice %arg8[%dma_wait3A_241] : memref<16xf32, #tpu.memory_space<vmem>> -> memref<3xf32, #tpu.memory_space<vmem>>
        %dma_wait3A_243 = arith.constant 0 : i32
        %dma_wait3A_244 = tpu.memref_slice %arg8[%dma_wait3A_243] : memref<16xf32, #tpu.memory_space<vmem>> -> memref<3xf32, #tpu.memory_space<vmem>>
        tpu.wait_dma2 semaphore(%run_scoped3A : memref<!tpu.dma_semaphore, #tpu.memory_space<semaphore_mem>>) src(%dma_wait3A_244 : memref<3xf32, #tpu.memory_space<vmem>>) dst(%arg5 : memref<3xf32, #tpu.memory_space<hbm>>)
        tpu.yield
      }) : () -> ()
    } else {
    }
    %ne3A = arith.constant 0 : i32
    %ne3A_74 = arith.cmpi ne, %arg1, %ne3A : i32
    %convert_element_type3A_75 = arith.extui %ne3A_74 : i1 to i32
    %cond3A_76 = arith.constant 0 : i32
    %cond3A_77 = arith.cmpi ne, %convert_element_type3A_75, %cond3A_76 : i32
    scf.if %cond3A_77 {
      %dma_wait3A_78 = arith.constant 0 : i32
      %dma_wait3A_79 = tpu.memref_slice %arg10[%dma_wait3A_78] : memref<16xf32, #tpu.memory_space<vmem>> -> memref<3xf32, #tpu.memory_space<vmem>>
      %dma_wait3A_80 = arith.constant 0 : i32
      %dma_wait3A_81 = tpu.memref_slice %arg10[%dma_wait3A_80] : memref<16xf32, #tpu.memory_space<vmem>> -> memref<3xf32, #tpu.memory_space<vmem>>
      tpu.wait_dma2 semaphore(%arg13 : memref<!tpu.dma_semaphore, #tpu.memory_space<semaphore_mem>>) src(%arg3 : memref<3xf32, #tpu.memory_space<hbm>>) dst(%dma_wait3A_81 : memref<3xf32, #tpu.memory_space<vmem>>)
    } else {
    }
    return
  }
}

</mosaic_0001>

<sc_bundles>
// kernel: kernel.3.cloned.1.call-start
scs
__scs_entry_jumppad:
0x0: {  	(pc) =	sbr.rel $0x88, $3  }
0x1: {  	(tag) =	ssettag $0x0;
	lr =	simm.s32 $0x1  }
0x2: {  	[smem:$0x3F9F] =	sst lr;
	_ =	strace $0xD0000000  }
0x3: {  	_ = 	snop  }
0x4: {  	_ = 	snop  }
0x5: {  	_ = 	snop  }
0x6: {  	_ = 	snop  }
0x7: {  	_ = 	snop  }
__scs_overlays_trampoline_lowered:
0x8: {  	[smem:$0x3FAE] =	sst s0  }
0x9: {  	[smem:$0x3FAF] =	sst s1  }
0xa: {  	[smem:$0x3FB0] =	sst s2  }
0xb: {  	[smem:$0x3FB1] =	sst s3  }
0xc: {  	[smem:$0x3FB2] =	sst s4  }
0xd: {  	[smem:$0x3FB3] =	sst s5  }
0xe: {  	[smem:$0x3FB4] =	sst s6  }
0xf: {  	[smem:$0x3FB5] =	sst s7  }
0x10: {  	[smem:$0x3FB6] =	sst s8  }
0x11: {  	[smem:$0x3FB7] =	sst s9;
	s0 =	simm.s32 @!p0 $0x0  }
0x12: {  	s1 =	sld [smem:$0x3F9D];
	s0 =	simm.s32 @p0 $0x1  }
0x13: {  	[smem:$0x3FB8] =	sst s0;
	s0 =	simm.s32 @!p1 $0x0  }
0x14: {  	s2 =	sld [smem:$0x3F9C];
	s0 =	simm.s32 @p1 $0x1  }
0x15: {  	[smem:$0x3FB9] =	sst s0;
	s0 =	simm.s32 @!p2 $0x0  }
0x16: {  	s3 =	sld [smem:$0x3FDB];
	s0 =	simm.s32 @p2 $0x1  }
0x17: {  	s4 =	simm.s32 $0x1BF5;
	[smem:$0x3FBB] =	sst s0  }
0x18: {  	s0 =	sld [smem:$0x3F9E];
	_ =	swait.ge [sflag:s4], $0x0  }
0x19: {  	s7 =	sld [smem:$0x3F9F]  }
0x1a: {  	s8 =	sadd.s32 $0xFFFFE003, lr  }
0x1b: {  	s9 =	sadd.s32 $0xFFFFFEF7, lr;
	s5 =	simm.s32 $0xFFFFFFFF;
	p2 =	slt.u32 s8, $0xFFFFF086  }
0x1c: {  	p1 =	slt.u32 s9, $0xF7A;
	s5 =	simm.s32 @!p2 $0x0  }
0x1d: {  	s5 =	simm.s32 @p1 $0x1;
	p0 =	seq.s32 s7, s2  }
0x1e: {  	s7 =	smul.u32 @!p0 $0xF7A, s2;
	p2 =	seq.s32 @!p0 s5, $0x0  }
0x1f: {  	s9 =	smul.u32 $0xF7A, s1;
	s8 =	simm.s32 @!p0 $0x1BF5;
	p2 =	por !p2, p0  }
0x20: {  	[sflag:s8] =	ssyncset.s32 @!p0 $0xFFFFF086;
	s6 =	sadd.s32 @!p0 s3, s7;
	s7 =	simm.s32 @!p0 $0x108  }
0x21: {  	s3 =	sadd.s32 s3, s9;
	s6 =	sadd.s32 @!p0 $0x88, s6;
	s7 =	simm.s32 @p2 $0x1082  }
0x22: {  	[simem:s7], [sflag:s8] =	dma.local @!p0 [hbm:s6], $0xF7A  }
0x23: {  	s9 =	sor.u32 $0xD0000000, s2;
	s6 =	simm.s32 $0x108;
	_ =	swait.ge @!p0 [sflag:s8], $0x0  }
0x24: {  	s3 =	sadd.s32 $0x88, s3;
	s6 =	simm.s32 @!p1 $0x1082;
	[sflag:s4] =	ssyncset.s32 $0xFFFFF086  }
0x25: {  	[simem:s6], [sflag:s4] =	dma.local [hbm:s3], $0xF7A  }
0x26: {  	[smem:$0x3F9F] =	sst s1;
	(tag) =	ssettag s2;
	_ =	strace s9  }
0x27: {  	s1 =	sld [smem:$0x3FAF]  }
0x28: {  	s2 =	sld [smem:$0x3FB0]  }
0x29: {  	s4 =	sld [smem:$0x3FB2]  }
0x2a: {  	p0 =	seq.s32 s5, $0x0;
	s5 =	sld [smem:$0x3FB3]  }
0x2b: {  	s6 =	sld [smem:$0x3FB4]  }
0x2c: {  	s7 =	sld [smem:$0x3FB5]  }
0x2d: {  	s3 =	simm.s32 $0x108;
	s8 =	sld [smem:$0x3FB6]  }
0x2e: {  	s3 =	simm.s32 @!p0 $0x1082;
	s9 =	sld [smem:$0x3FB7]  }
0x2f: {  	lr =	sadd.s32 s0, s3;
	s0 =	sld [smem:$0x3FAE]  }
0x30: {  	s3 =	sld [smem:$0x3FB1]  }
0x31: {  	[smem:$0x3FBA] =	sst s10  }
0x32: {  	s10 =	sld [smem:$0x3FB8];
	_ =	sdelay $0x3  }
0x33: {  	p0 =	seq.s32 s10, $0x1;
	s10 =	sld [smem:$0x3FBA];
	_ =	sdelay $0x3  }
0x34: {  	[smem:$0x3FBA] =	sst s10  }
0x35: {  	s10 =	sld [smem:$0x3FB9];
	_ =	sdelay $0x3  }
0x36: {  	p1 =	seq.s32 s10, $0x1;
	s10 =	sld [smem:$0x3FBA];
	_ =	sdelay $0x3  }
0x37: {  	[smem:$0x3FBA] =	sst s10  }
0x38: {  	s10 =	sld [smem:$0x3FBB]  }
0x39: {  	_ = 	snop;
	(pc) =	sbr.ind lr, $3  }
0x3a: {  	_ = 	snop  }
0x3b: {  	_ = 	snop  }
0x3c: {  	p2 =	seq.s32 s10, $0x1;
	s10 =	sld [smem:$0x3FBA]  }
0x3d: {  	_ =	shalt  }
0x3e: {  	_ =	shalt  }
0x3f: {  	_ =	shalt  }
0x40: {  	_ =	shalt  }
0x41: {  	_ =	shalt  }
0x42: {  	_ =	shalt  }
0x43: {  	_ =	shalt  }
0x44: {  	_ =	shalt  }
0x45: {  	_ =	shalt  }
0x46: {  	_ =	shalt  }
0x47: {  	_ =	shalt  }
0x48: {  	_ =	shalt  }
0x49: {  	_ =	shalt  }
0x4a: {  	_ =	shalt  }
0x4b: {  	_ =	shalt  }
0x4c: {  	_ =	shalt  }
0x4d: {  	_ =	shalt  }
0x4e: {  	_ =	shalt  }
0x4f: {  	_ =	shalt  }
0x50: {  	_ =	shalt  }
0x51: {  	_ =	shalt  }
0x52: {  	_ =	shalt  }
0x53: {  	_ =	shalt  }
0x54: {  	_ =	shalt  }
0x55: {  	_ =	shalt  }
0x56: {  	_ =	shalt  }
0x57: {  	_ =	shalt  }
0x58: {  	_ =	shalt  }
0x59: {  	_ =	shalt  }
0x5a: {  	_ =	shalt  }
0x5b: {  	_ =	shalt  }
0x5c: {  	_ =	shalt  }
0x5d: {  	_ =	shalt  }
0x5e: {  	_ =	shalt  }
0x5f: {  	_ =	shalt  }
0x60: {  	_ =	shalt  }
0x61: {  	_ =	shalt  }
0x62: {  	_ =	shalt  }
0x63: {  	_ =	shalt  }
0x64: {  	_ =	shalt  }
0x65: {  	_ =	shalt  }
0x66: {  	_ =	shalt  }
0x67: {  	_ =	shalt  }
0x68: {  	_ =	shalt  }
0x69: {  	_ =	shalt  }
0x6a: {  	_ =	shalt  }
0x6b: {  	_ =	shalt  }
0x6c: {  	_ =	shalt  }
0x6d: {  	_ =	shalt  }
0x6e: {  	_ =	shalt  }
0x6f: {  	_ =	shalt  }
0x70: {  	_ =	shalt  }
0x71: {  	_ =	shalt  }
0x72: {  	_ =	shalt  }
0x73: {  	_ =	shalt  }
0x74: {  	_ =	shalt  }
0x75: {  	_ =	shalt  }
0x76: {  	_ =	shalt  }
0x77: {  	_ =	shalt  }
0x78: {  	_ =	shalt  }
0x79: {  	_ =	shalt  }
0x7a: {  	_ =	shalt  }
0x7b: {  	_ =	shalt  }
0x7c: {  	_ =	shalt  }
0x7d: {  	_ =	shalt  }
0x7e: {  	_ =	shalt  }
0x7f: {  	_ =	shalt  }
0x80: {  	_ =	shalt  }
0x81: {  	_ =	shalt  }
0x82: {  	_ =	shalt  }
0x83: {  	_ =	shalt  }
0x84: {  	_ =	shalt  }
0x85: {  	_ =	shalt  }
0x86: {  	_ =	shalt  }
0x87: {  	_ =	shalt  }
.Lfunc_end0:
.L_simem_size_0:
called_computation_lowered:
.L_overlay_start_0:
0x88: {  	s0 =	sld [smem:$0x3FD9]  }
0x89: {  	s1 =	sld [smem:$0x3FFE];
	_ =	sdelay $0x3  }
0x8a: {  	s0 =	sadd.s32 s1, s0  }
0x8b: {  	[smem:$0x3FC6] =	sst s0  }
0x8c: {  	_ = 	snop  }
0x8d: {  	s0 =	sld [smem:$0x3FC9]  }
0x8e: {  	s16 =	sld [smem:$0x3FC8]  }
0x8f: {  	s2 =	sld [smem:$0x3FD0];
	(tm) =	ssettm $0x1  }
0x90: {  	s3 =	sld [smem:$0x3FFB];
	_ =	sdelay $0x3  }
0x91: {  	_ =	strace s3  }
0x92: {  	s3 =	sld [smem:$0x3FFC];
	_ =	sdelay $0x3  }
0x93: {  	_ =	strace s3  }
0x94: {  	s3 =	sld [smem:$0x3FFD];
	_ =	sdelay $0x3  }
0x95: {  	_ =	strace s3  }
0x96: {  	_ =	strace $0x8FFFFFFF  }
0x97: {  	s17 =	sld [smem:$0x3FDB];
	_ =	sdelay $0x1  }
0x98: {  	s4 =	simm.s32 $_scs_section_size  }
0x99: {  	s5 =	simm.s32 $_size__tile_overlayer_lowered;
	s6 =	simm.s32 $_tile_overlayer_lowered  }
0x9a: {  	s20 =	simm.s32 $0x1BFF;
	s19 =	sshll.u32 s6, $0x1;
	s3 =	sadd.s32 s4, s17  }
0x9b: {  	s7 =	simm.s32 $0x0;
	s18 =	sshll.u32 s5, $0x1;
	s5 =	sadd.s32 s19, s3  }
0x9c: {  	[timem:s7], [sflag:s20] =	dma.local [hbm:s5], s18  }
0x9d: {  	_ =	swait.ge [sflag:s20], s18  }
0x9e: {  	s4 =	ssub.s32 $0x0, s18;
	[sflag:s20] =	ssyncset.done $0x0  }
0x9f: {  	[sflag:s20] =	ssyncadd.s32 s4;
	_ =	sdelay $0x1  }
0xa0: {  	s21 =	simm.s32 $0x1B8B  }
0xa1: {  	_ =	swait.ge [sflag:s21], $0x1  }
0xa2: {  	[sflag:s21] =	ssyncset.done $0x0  }
0xa3: {  	s23 =	simm.s32 $0x1B8E;
	s22 =	sld [smem:$0x3FFE];
	[sflag:s21] =	ssyncadd.s32 $0xFFFFFFFF  }
0xa4: {  	s24 =	simm.s32 $execute0_lowered;
	[smem:$0x3FD2] =	sst s23  }
0xa5: {  	s5 =	sshll.u32 s24, $0x1;
	_ =	strace $0x80000046;
	[dreg:$0x1] =	wrdreg $0xFFFFFFFF  }
0xa6: {  	s25 =	simm.s32 $_size_execute0_lowered;
	s3 =	sadd.s32 s3, s5;
	[dreg:$0x0] =	wrdreg $0x0  }
0xa7: {  	s5 =	sshll.u32 s25, $0x1;
	[dreg:$0x2] =	wrdreg s3  }
0xa8: {  	[dreg:$0x3] =	wrdreg s5  }
0xa9: {  	[dreg:$0x4] =	wrdreg $0xC0  }
0xaa: {  	_ =	task [dreg:s7], $0x5FFFF  }
0xab: {  	[dreg:$0x1] =	wrdreg $0xFFFFFFFF  }
0xac: {  	[dreg:$0x0] =	wrdreg $0x60  }
0xad: {  	[dreg:$0x2] =	wrdreg s0  }
0xae: {  	[dreg:$0x3] =	wrdreg s16  }
0xaf: {  	[dreg:$0x4] =	wrdreg s22  }
0xb0: {  	[dreg:$0x5] =	wrdreg s2  }
0xb1: {  	[dreg:$0x6] =	wrdreg $0x9  }
0xb2: {  	_ =	task.clear_ibuf [dreg:s7], $0x7FFFF;
	_ =	strace $0x90000046  }
0xb3: {  	s26 =	simm.s32 $0x9;
	_ =	strace $0x80000048  }
0xb4: {  	_ =	swait.ge [sflag:s26], $0x1  }
0xb5: {  	[sflag:s26] =	ssyncadd.s32 $0xFFFFFFFF  }
0xb6: {  	_ =	strace $0x90000048  }
0xb7: {  	_ =	sfence  }
0xb8: {  	s28 =	sld [smem:$0x0];
	_ =	sdelay $0x1  }
0xb9: {  	s29 =	srdreg.scid  }
0xba: {  	s30 =	sshll.u32 s29, $0xD;
	s31 =	sshrl.u32 s29, $0x2  }
0xbb: {  	s1 =	sand.u32 $0x1, s29;
	s2 =	sand.u32 $0x4000, s30;
	s0 =	sadd.s32 s31, s28  }
0xbc: {  	s1 =	sor.u32 s2, s1;
	s0 =	sshll.u32 s0, $0x11  }
0xbd: {  	s0 =	sor.u32 s0, s1  }
0xbe: {  	s0 =	sadd.s32 $0x8F2B, s0  }
0xbf: {  	[sflag:s0] =	ssyncadd.remote.s32 $0x1  }
0xc0: {  	_ =	sfence.sel $0xFFFF  }
0xc1: {  	[dreg:$0x0] =	wrdreg $0xFFFFFFFF;
	(pc) =	sbr.abs _section_cstart, $3  }
0xc2: {  	[dreg:$0x1] =	wrdreg $0xFFFFFFFF  }
0xc3: {  	_ =	task.clear_ibuf [dreg:s7], $0x2FFFF;
	_ =	strace $0x9FFFFFFF  }
0xc4: {  	(tm) =	ssettm $0x7FFFFFFF  }
0xc5: {  	_ =	shalt  }
tec
execute0_lowered:
.L_overlay_start_1:
0x0: {  	(tag) =	ssettag $0x1  }
0x1: {  	s3 =	rddreg [dreg:$0x0]  }
0x2: {  	s5 =	rddreg [dreg:$0x1];
	s2 =	stileid.u32  }
0x3: {  	s7 =	rddreg [dreg:$0x2];
	s4 =	smul.u32 $0x13880, s2  }
0x4: {  	s1 =	rddreg [dreg:$0x3];
	s6 =	simm.s32 $0x0  }
0x5: {  	[smem:$0x7FF] =	sst s6;
	s4 =	sshrl.u32 s4, $0x3  }
0x6: {  	s0 =	rddreg [dreg:$0x4];
	_ =	strace $0x80000047;
	s4 =	sadd.s32 s3, s4  }
0x7: {  	[tilespmem:s6], [sflag:$0x1] =	stream.linear.gather [hbm4b:s4+s6], $0x4E20, $0x38;
	[tilespmem:$0xA600] =	vst v63  }
0x8: {  	s8 =	simm.s32 $0x4E80;
	s3 =	sadd.s32 $0x9C4, s4  }
0x9: {  	[tilespmem:s8], [sflag:$0x2] =	stream.linear.gather [hbm4b:s3+s6], $0x4E20, $0x38;
	[tilespmem:$0xA600] =	vst v63  }
0xa: {  	s29 =	simm.s32 $0xA580;
	s30 =	simm.s32 $0x1  }
0xb: {  	[tilespmem:s29], [sflag:$0x3] =	stream.linear.gather [hbm4b:s5+s6], $0x3, $0x38;
	[tilespmem:$0xA600] =	vst v63  }
0xc: {  	_ =	swait.ge [sflag:s30], $0x4E20  }
0xd: {  	[sflag:s30] =	ssyncset.done $0x0  }
0xe: {  	s5 =	simm.s32 $0x50;
	s6 =	simm.s32 $0x0;
	[sflag:s30] =	ssyncadd.s32 $0xFFFFB1E0  }
0xf: {  	s31 =	sand.u32 $0x7FE0, s6;
	v1 =	vld [tilespmem:s5+$0x40]  }
0x10: {  	v0 =	vld [tilespmem:s31+$0x80]  }
0x11: {  	v3 =	vld [tilespmem:s5+$0xFFFFFFB0]  }
0x12: {  	v5 =	vld [tilespmem:s5+$0xFFFFFFC0]  }
0x13: {  	v13 =	vld [tilespmem:s5+$0xFFFFFFD0]  }
0x14: {  	v4 =	vimm.f32 $0.0e+00;
	v11 =	vld [tilespmem:s5+$0xFFFFFFE0]  }
0x15: {  	v6 =	vimm.f32 $0.0e+00;
	v7 =	vimm.f32 $0.0e+00;
	v8 =	vimm.f32 $0.0e+00;
	v10 =	vld [tilespmem:s5+$0xFFFFFFF0]  }
0x16: {  	v9 =	vimm.f32 $0.0e+00;
	v12 =	vld [tilespmem:s5+$0x0];
	v0 =	vadd.f32 v0, v4;
	v2 =	vadd.f32 v1, v4  }
0x17: {  	s3 =	sadd.s32 $0x800, s7;
	v14 =	vld [tilespmem:s5+$0x10];
	v1 =	vadd.f32 v3, v4;
	v3 =	vadd.f32 v5, v4;
	v5 =	vimm.f32 $0.0e+00  }
.LBB2_1:
0x18: {  	s6 =	sadd.s32 $0xA0, s6;
	v4 =	vadd.f32 v13, v4;
	v15 =	vld [tilespmem:s5+$0x20];
	s5 =	sadd.s32 $0xA0, s5  }
0x19: {  	s7 =	sand.u32 $0x7FE0, s6;
	v16 =	vld [tilespmem:s5+$0x40];
	p0 =	slt.u32 s6, $0x4D80;
	v5 =	vadd.f32 v11, v5  }
0x1a: {  	v17 =	vld [tilespmem:s7+$0x80];
	v6 =	vadd.f32 v10, v6  }
0x1b: {  	v18 =	vld [tilespmem:s5+$0xFFFFFFB0];
	v7 =	vadd.f32 v12, v7  }
0x1c: {  	v19 =	vld [tilespmem:s5+$0xFFFFFFC0];
	v8 =	vadd.f32 v14, v8  }
.Ltmp0:
0x1d: {  	v13 =	vld [tilespmem:s5+$0xFFFFFFD0];
	v9 =	vadd.f32 v15, v9;
	(pc) =	sbr.rel @p0 .LBB2_1-.Ltmp0, $4  }
0x1e: {  	v11 =	vld [tilespmem:s5+$0xFFFFFFE0]  }
0x1f: {  	v2 =	vadd.f32 v16, v2;
	v10 =	vld [tilespmem:s5+$0xFFFFFFF0];
	v0 =	vadd.f32 v17, v0  }
0x20: {  	v1 =	vadd.f32 v18, v1;
	v12 =	vld [tilespmem:s5+$0x0]  }
0x21: {  	v3 =	vadd.f32 v19, v3;
	v14 =	vld [tilespmem:s5+$0x10]  }
0x22: {  	s30 =	sadd.s32 $0x1388, s4;
	s6 =	simm.s32 $0x0;
	s31 =	simm.s32 $0x2  }
0x23: {  	v15 =	vld [tilespmem:s5+$0x20];
	[tilespmem:s6], [sflag:$0x1] =	stream.linear.gather [hbm4b:s30+s6], $0x4E20, $0x38  }
0x24: {  	_ =	swait.ge [sflag:s31], $0x4E20  }
0x25: {  	[sflag:s31] =	ssyncset.done $0x0  }
0x26: {  	s5 =	simm.s32 $0x4ED0;
	s6 =	simm.s32 $0x0;
	[sflag:s31] =	ssyncadd.s32 $0xFFFFB1E0  }
0x27: {  	s7 =	sand.u32 $0x7FE0, s6;
	v16 =	vld [tilespmem:s5+$0x40]  }
0x28: {  	v17 =	vld [tilespmem:s7+$0x4F00]  }
0x29: {  	v18 =	vld [tilespmem:s5+$0xFFFFFFB0]  }
0x2a: {  	v19 =	vld [tilespmem:s5+$0xFFFFFFC0]  }
0x2b: {  	v4 =	vadd.f32 v13, v4;
	v5 =	vadd.f32 v11, v5;
	v13 =	vld [tilespmem:s5+$0xFFFFFFD0]  }
0x2c: {  	v6 =	vadd.f32 v10, v6;
	v7 =	vadd.f32 v12, v7;
	v10 =	vld [tilespmem:s5+$0xFFFFFFE0]  }
0x2d: {  	v8 =	vadd.f32 v14, v8;
	v9 =	vadd.f32 v15, v9;
	v11 =	vld [tilespmem:s5+$0xFFFFFFF0]  }
0x2e: {  	v12 =	vld [tilespmem:s5+$0x0];
	v0 =	vadd.f32 v17, v0;
	v2 =	vadd.f32 v16, v2  }
0x2f: {  	v14 =	vld [tilespmem:s5+$0x10];
	v1 =	vadd.f32 v18, v1;
	v3 =	vadd.f32 v19, v3  }
.LBB2_3:
0x30: {  	s6 =	sadd.s32 $0xA0, s6;
	v4 =	vadd.f32 v13, v4;
	v15 =	vld [tilespmem:s5+$0x20];
	s5 =	sadd.s32 $0xA0, s5  }
0x31: {  	s7 =	sand.u32 $0x7FE0, s6;
	v16 =	vld [tilespmem:s5+$0x40];
	p0 =	slt.u32 s6, $0x4D80;
	v5 =	vadd.f32 v10, v5  }
0x32: {  	v17 =	vld [tilespmem:s7+$0x4F00];
	v6 =	vadd.f32 v11, v6  }
0x33: {  	v18 =	vld [tilespmem:s5+$0xFFFFFFB0];
	v7 =	vadd.f32 v12, v7  }
0x34: {  	v19 =	vld [tilespmem:s5+$0xFFFFFFC0];
	v8 =	vadd.f32 v14, v8  }
.Ltmp1:
0x35: {  	v13 =	vld [tilespmem:s5+$0xFFFFFFD0];
	v9 =	vadd.f32 v15, v9;
	(pc) =	sbr.rel @p0 .LBB2_3-.Ltmp1, $4  }
0x36: {  	v10 =	vld [tilespmem:s5+$0xFFFFFFE0]  }
0x37: {  	v2 =	vadd.f32 v16, v2;
	v11 =	vld [tilespmem:s5+$0xFFFFFFF0];
	v0 =	vadd.f32 v17, v0  }
0x38: {  	v1 =	vadd.f32 v18, v1;
	v12 =	vld [tilespmem:s5+$0x0]  }
0x39: {  	v3 =	vadd.f32 v19, v3;
	v14 =	vld [tilespmem:s5+$0x10]  }
0x3a: {  	s4 =	sadd.s32 $0x1D4C, s4  }
0x3b: {  	s29 =	simm.s32 $0x0;
	s6 =	simm.s32 $0x4E80;
	s30 =	simm.s32 $0x1  }
0x3c: {  	v15 =	vld [tilespmem:s5+$0x20];
	[tilespmem:s6], [sflag:$0x2] =	stream.linear.gather [hbm4b:s4+s29], $0x4E20, $0x38  }
0x3d: {  	_ =	swait.ge [sflag:s30], $0x4E20  }
0x3e: {  	[sflag:s30] =	ssyncset.done $0x0  }
0x3f: {  	s5 =	simm.s32 $0x0;
	s4 =	simm.s32 $0x50;
	[sflag:s30] =	ssyncadd.s32 $0xFFFFB1E0  }
0x40: {  	s31 =	sand.u32 $0x7FE0, s5;
	v16 =	vld [tilespmem:s4+$0x40]  }
0x41: {  	v17 =	vld [tilespmem:s31+$0x80]  }
0x42: {  	v18 =	vld [tilespmem:s4+$0xFFFFFFB0]  }
0x43: {  	v19 =	vld [tilespmem:s4+$0xFFFFFFC0]  }
0x44: {  	v4 =	vadd.f32 v13, v4;
	v5 =	vadd.f32 v10, v5;
	v10 =	vld [tilespmem:s4+$0xFFFFFFD0]  }
0x45: {  	v6 =	vadd.f32 v11, v6;
	v7 =	vadd.f32 v12, v7;
	v11 =	vld [tilespmem:s4+$0xFFFFFFE0]  }
0x46: {  	v8 =	vadd.f32 v14, v8;
	v9 =	vadd.f32 v15, v9;
	v12 =	vld [tilespmem:s4+$0xFFFFFFF0]  }
0x47: {  	v13 =	vld [tilespmem:s4+$0x0];
	v0 =	vadd.f32 v17, v0;
	v2 =	vadd.f32 v16, v2  }
0x48: {  	v14 =	vld [tilespmem:s4+$0x10];
	v1 =	vadd.f32 v18, v1;
	v3 =	vadd.f32 v19, v3  }
.LBB2_5:
0x49: {  	s5 =	sadd.s32 $0xA0, s5;
	v4 =	vadd.f32 v10, v4;
	v15 =	vld [tilespmem:s4+$0x20];
	s4 =	sadd.s32 $0xA0, s4  }
0x4a: {  	s6 =	sand.u32 $0x7FE0, s5;
	v16 =	vld [tilespmem:s4+$0x40];
	p0 =	slt.u32 s5, $0x4D80;
	v5 =	vadd.f32 v11, v5  }
0x4b: {  	v17 =	vld [tilespmem:s6+$0x80];
	v6 =	vadd.f32 v12, v6  }
0x4c: {  	v18 =	vld [tilespmem:s4+$0xFFFFFFB0];
	v7 =	vadd.f32 v13, v7  }
0x4d: {  	v19 =	vld [tilespmem:s4+$0xFFFFFFC0];
	v8 =	vadd.f32 v14, v8  }
.Ltmp2:
0x4e: {  	v10 =	vld [tilespmem:s4+$0xFFFFFFD0];
	v9 =	vadd.f32 v15, v9;
	(pc) =	sbr.rel @p0 .LBB2_5-.Ltmp2, $4  }
0x4f: {  	v11 =	vld [tilespmem:s4+$0xFFFFFFE0]  }
0x50: {  	v2 =	vadd.f32 v16, v2;
	v12 =	vld [tilespmem:s4+$0xFFFFFFF0];
	v0 =	vadd.f32 v17, v0  }
0x51: {  	v1 =	vadd.f32 v18, v1;
	v13 =	vld [tilespmem:s4+$0x0]  }
0x52: {  	v3 =	vadd.f32 v19, v3;
	v14 =	vld [tilespmem:s4+$0x10]  }
0x53: {  	s31 =	simm.s32 $0x2  }
0x54: {  	v16 =	vld [tilespmem:s4+$0x20];
	_ =	swait.ge [sflag:s31], $0x4E20  }
0x55: {  	[sflag:s31] =	ssyncset.done $0x0  }
0x56: {  	s4 =	simm.s32 $0x4ED0;
	s5 =	simm.s32 $0x0;
	[sflag:s31] =	ssyncadd.s32 $0xFFFFB1E0  }
0x57: {  	s6 =	sand.u32 $0x7FE0, s5;
	v17 =	vld [tilespmem:s4+$0x40]  }
0x58: {  	v18 =	vld [tilespmem:s6+$0x4F00]  }
0x59: {  	v19 =	vld [tilespmem:s4+$0xFFFFFFB0]  }
0x5a: {  	v20 =	vld [tilespmem:s4+$0xFFFFFFC0]  }
0x5b: {  	v10 =	vadd.f32 v10, v4;
	v5 =	vadd.f32 v11, v5;
	v15 =	vld [tilespmem:s4+$0xFFFFFFD0]  }
0x5c: {  	v4 =	vadd.f32 v12, v6;
	v7 =	vadd.f32 v13, v7;
	v12 =	vld [tilespmem:s4+$0xFFFFFFE0]  }
0x5d: {  	v11 =	vadd.f32 v14, v8;
	v8 =	vadd.f32 v16, v9;
	v9 =	vld [tilespmem:s4+$0xFFFFFFF0]  }
0x5e: {  	v13 =	vld [tilespmem:s4+$0x0];
	v6 =	vadd.f32 v18, v0;
	v0 =	vadd.f32 v17, v2  }
0x5f: {  	v1 =	vadd.f32 v19, v1;
	v2 =	vadd.f32 v20, v3;
	v3 =	vld [tilespmem:s4+$0x10]  }
.LBB2_7:
0x60: {  	s5 =	sadd.s32 $0xA0, s5;
	v10 =	vadd.f32 v15, v10;
	v14 =	vld [tilespmem:s4+$0x20];
	s4 =	sadd.s32 $0xA0, s4  }
0x61: {  	s6 =	sand.u32 $0x7FE0, s5;
	v16 =	vld [tilespmem:s4+$0x40];
	p0 =	slt.u32 s5, $0x4D80;
	v5 =	vadd.f32 v12, v5  }
0x62: {  	v17 =	vld [tilespmem:s6+$0x4F00];
	v4 =	vadd.f32 v9, v4  }
0x63: {  	v18 =	vld [tilespmem:s4+$0xFFFFFFB0];
	v7 =	vadd.f32 v13, v7  }
0x64: {  	v19 =	vld [tilespmem:s4+$0xFFFFFFC0];
	v11 =	vadd.f32 v3, v11  }
.Ltmp3:
0x65: {  	v15 =	vld [tilespmem:s4+$0xFFFFFFD0];
	v8 =	vadd.f32 v14, v8;
	(pc) =	sbr.rel @p0 .LBB2_7-.Ltmp3, $4  }
0x66: {  	v12 =	vld [tilespmem:s4+$0xFFFFFFE0]  }
0x67: {  	v0 =	vadd.f32 v16, v0;
	v9 =	vld [tilespmem:s4+$0xFFFFFFF0];
	v6 =	vadd.f32 v17, v6  }
0x68: {  	v1 =	vadd.f32 v18, v1;
	v13 =	vld [tilespmem:s4+$0x0]  }
0x69: {  	v2 =	vadd.f32 v19, v2;
	v3 =	vld [tilespmem:s4+$0x10]  }
0x6a: {  	v14 =	vld [tilespmem:s4+$0x20];
	_ =	sdelay $0x2  }
0x6b: {  	v10 =	vadd.f32 v15, v10  }
0x6c: {  	v5 =	vadd.f32 v12, v5;
	v7 =	vadd.f32 v13, v7  }
0x6d: {  	v3 =	vadd.f32 v3, v11;
	v8 =	vadd.f32 v14, v8  }
0x6e: {  	v5 =	vadd.f32 v6, v5;
	v1 =	vadd.f32 v7, v1  }
0x6f: {  	v2 =	vadd.f32 v3, v2;
	v63 =	vadd.f32 v8, v10  }
0x70: {  	v4 =	vadd.f32 v9, v4  }
0x71: {  	v2 =	vadd.f32 v5, v2;
	v1 =	vadd.f32 v63, v1;
	_ =	sdelay $0x1  }
0x72: {  	v0 =	vadd.f32 v0, v4;
	v1 =	vadd.f32 v2, v1;
	_ =	sdelay $0x1  }
0x73: {  	v0 =	vadd.f32 v1, v0  }
0x74: {  	s31 =	sshll.u32 s2, $0x4  }
0x75: {  	s4 =	simm.s32 $0x0;
	s6 =	simm.s32 $0x9D00;
	s5 =	sadd.s32 s3, s31;
	[tilespmem:$0x9D00] =	vst v0  }
0x76: {  	[hbm4b:s5+s4] =	stream.linear.scatter [tilespmem:s6], [sflag:$0x4], $0x80, $0x38;
	[tilespmem:$0xA600] =	vst v63  }
0x77: {  	s5 =	simm.s32 $0x4  }
0x78: {  	_ =	swait.ge [sflag:s5], $0x80  }
0x79: {  	[sflag:s5] =	ssyncset.done $0x0  }
0x7a: {  	p0 =	sne.s32 s2, $0x0;
	[sflag:s5] =	ssyncadd.s32 $0xFFFFFF80  }
0x7b: {  	s0 =	simm.s32 @p0 $0x3;
	[bflag:$0x0] =	sbarrier.arrive $0xFFFF  }
0x7c: {  	_ =	swait.ge @p0 [sflag:s0], $0x3  }
0x7d: {  	[sflag:s0] =	ssyncset.done @p0 $0x0  }
0x7e: {  	[sflag:s0] =	ssyncadd.s32 @p0 $0xFFFFFFFD  }
0x7f: {  	_ =	sfence.sel @p0 $0x180000  }
0x80: {  	[bflag:$0x0] =	sbarrier.arrive @p0 $0xFFFF  }
0x81: {  	_ =	strace @p0 $0x90000047  }
0x82: {  	[bflag:$0x2] =	sbarrier.arrive @p0 $0xFFFF  }
0x83: {  	_ =	shalt @p0  }
.LBB2_9:
0x84: {  	s2 =	simm.s32 $0x9D80  }
0x85: {  	[tilespmem:s2], [sflag:$0x4] =	stream.linear.gather [hbm4b:s3+s4], $0x800, $0x38;
	[tilespmem:$0xA600] =	vst v63  }
0x86: {  	_ =	swait.ge [sflag:s5], $0x800  }
0x87: {  	[sflag:s5] =	ssyncset.done $0x0  }
0x88: {  	[sflag:s5] =	ssyncadd.s32 $0xFFFFF800  }
0x89: {  	v0 =	vld [tilespmem:$0x9D80];
	_ =	sdelay $0x1  }
0x8a: {  	v1 =	vld [tilespmem:$0x9E00];
	_ =	sdelay $0x1  }
0x8b: {  	v2 =	vld [tilespmem:$0x9E80]  }
0x8c: {  	v0 =	vadd.f32 $0.0e+00, v0  }
0x8d: {  	v3 =	vld [tilespmem:$0x9F00]  }
0x8e: {  	v0 =	vadd.f32 v1, v0  }
0x8f: {  	v50 =	vld [tilespmem:$0x9F80]  }
0x90: {  	v0 =	vadd.f32 v2, v0  }
0x91: {  	v51 =	vld [tilespmem:$0xA000]  }
0x92: {  	v0 =	vadd.f32 v3, v0  }
0x93: {  	v52 =	vld [tilespmem:$0xA080]  }
0x94: {  	v0 =	vadd.f32 v50, v0  }
0x95: {  	v53 =	vld [tilespmem:$0xA100]  }
0x96: {  	v0 =	vadd.f32 v51, v0  }
0x97: {  	v54 =	vld [tilespmem:$0xA180]  }
0x98: {  	v0 =	vadd.f32 v52, v0  }
0x99: {  	v55 =	vld [tilespmem:$0xA200]  }
0x9a: {  	v0 =	vadd.f32 v53, v0  }
0x9b: {  	v56 =	vld [tilespmem:$0xA280]  }
0x9c: {  	v0 =	vadd.f32 v54, v0  }
0x9d: {  	v57 =	vld [tilespmem:$0xA300]  }
0x9e: {  	v0 =	vadd.f32 v55, v0  }
0x9f: {  	v58 =	vld [tilespmem:$0xA380]  }
0xa0: {  	v0 =	vadd.f32 v56, v0  }
0xa1: {  	v59 =	vld [tilespmem:$0xA400]  }
0xa2: {  	v0 =	vadd.f32 v57, v0  }
0xa3: {  	v60 =	vld [tilespmem:$0xA480]  }
0xa4: {  	v0 =	vadd.f32 v58, v0  }
0xa5: {  	v61 =	vld [tilespmem:$0xA500]  }
0xa6: {  	v0 =	vadd.f32 v59, v0;
	_ =	sdelay $0x1  }
0xa7: {  	v0 =	vadd.f32 v60, v0;
	_ =	sdelay $0x1  }
0xa8: {  	v0 =	vadd.f32 v61, v0;
	_ =	sdelay $0x1  }
0xa9: {  	(v2sf) =	vpush v0, $0x0  }
0xaa: {  	(v2sf) =	vpush v0, $0x1;
	_ =	sdelay $0x1  }
0xab: {  	(v2sf) =	vpush v0, $0x2;
	_ =	sdelay $0x1  }
0xac: {  	(v2sf) =	vpush v0, $0x3;
	_ =	sdelay $0x1  }
0xad: {  	(v2sf) =	vpush v0, $0x4;
	_ =	sdelay $0x1  }
0xae: {  	(v2sf) =	vpush v0, $0x5;
	_ =	sdelay $0x1  }
0xaf: {  	(v2sf) =	vpush v0, $0x6;
	_ =	sdelay $0x1  }
0xb0: {  	(v2sf) =	vpush v0, $0x7;
	_ =	sdelay $0x1  }
0xb1: {  	s17 =	spop (v2sf);
	(v2sf) =	vpush v0, $0x8  }
0xb2: {  	s18 =	spop (v2sf)  }
0xb3: {  	(v2sf) =	vpush v0, $0x9;
	s2 =	sadd.f32 s18, s17  }
0xb4: {  	s19 =	spop (v2sf)  }
0xb5: {  	(v2sf) =	vpush v0, $0xA;
	s2 =	sadd.f32 s2, s19  }
0xb6: {  	s20 =	spop (v2sf)  }
0xb7: {  	(v2sf) =	vpush v0, $0xB;
	s2 =	sadd.f32 s2, s20  }
0xb8: {  	s21 =	spop (v2sf);
	(v2sf) =	vpush v0, $0xC  }
0xb9: {  	(v2sf) =	vpush v0, $0xD;
	s2 =	sadd.f32 s2, s21  }
0xba: {  	s22 =	spop (v2sf);
	(v2sf) =	vpush v0, $0xE  }
0xbb: {  	(v2sf) =	vpush v0, $0xF;
	s2 =	sadd.f32 s2, s22  }
0xbc: {  	s23 =	spop (v2sf)  }
0xbd: {  	s2 =	sadd.f32 s2, s23  }
0xbe: {  	s24 =	spop (v2sf)  }
0xbf: {  	s2 =	sadd.f32 s2, s24  }
0xc0: {  	s25 =	spop (v2sf)  }
0xc1: {  	s2 =	sadd.f32 s2, s25  }
0xc2: {  	s26 =	spop (v2sf)  }
0xc3: {  	s2 =	sadd.f32 s2, s26  }
0xc4: {  	s28 =	spop (v2sf)  }
0xc5: {  	s2 =	sadd.f32 s2, s28  }
0xc6: {  	s29 =	spop (v2sf)  }
0xc7: {  	s7 =	spop (v2sf);
	s2 =	sadd.f32 s2, s29  }
0xc8: {  	s30 =	spop (v2sf)  }
0xc9: {  	s8 =	spop (v2sf);
	s2 =	sadd.f32 s2, s7  }
0xca: {  	s9 =	simm.s32 $0x3;
	s31 =	spop (v2sf)  }
0xcb: {  	_ =	swait.ge [sflag:s9], $0x3;
	s2 =	sadd.f32 s2, s30  }
0xcc: {  	[sflag:s9] =	ssyncset.done $0x0  }
0xcd: {  	[sflag:s9] =	ssyncadd.s32 $0xFFFFFFFD;
	s2 =	sadd.f32 s2, s8  }
0xce: {  	v62 =	vld [tilespmem:$0xA580]  }
0xcf: {  	s2 =	sadd.f32 s2, s31;
	_ =	sdelay $0x1  }
0xd0: {  	v63 =	vlaneseq.u32;
	s2 =	smul.f32 $7.812499800e-07, s2  }
0xd1: {  	vm0 =	veq.s32 v63, $0x1  }
0xd2: {  	v0 =	vsel vm0, s2, v62  }
0xd3: {  	[tilespmem:$0x9D00] =	vst v0  }
0xd4: {  	[hbm4b:s1+s4] =	stream.linear.scatter [tilespmem:s6], [sflag:$0x4], $0x3, $0x38;
	[tilespmem:$0xA600] =	vst v63  }
0xd5: {  	_ =	swait.ge [sflag:s5], $0x3  }
0xd6: {  	[sflag:s5] =	ssyncset.done $0x0  }
0xd7: {  	[sflag:s5] =	ssyncadd.s32 $0xFFFFFFFD  }
0xd8: {  	_ =	sfence.sel $0x180000  }
0xd9: {  	[bflag:$0x0] =	sbarrier.arrive $0xFFFF  }
0xda: {  	_ =	strace $0x90000047  }
0xdb: {  	s0 =	sadd.s32 $0x100000, s0;
	[bflag:$0x2] =	sbarrier.arrive $0xFFFF  }
0xdc: {  	[sflag:s0] =	ssyncadd.tile.s32 $0x1;
	_ =	shalt  }
.Lfunc_end2:
_tile_overlayer_lowered:
.L_overlay_start_2:
0xdd: {  	(tag) =	ssettag $0x2  }
0xde: {  	s0 =	rddreg [dreg:$0x0];
	s2 =	stileid.u32  }
0xdf: {  	s1 =	rddreg [dreg:$0x1];
	p0 =	sne.s32 s2, $0x0  }
0xe0: {  	s3 =	rddreg [dreg:$0x2];
	[bflag:$0x3] =	sbarrier.arrive $0xFFFF;
	s2 =	simm.s32 @!p0 $0x1C04  }
0xe1: {  	[timem:s3], [sflag:s2] =	dma.local @!p0 [hbm:s0], s1  }
0xe2: {  	s0 =	simm.s32 @!p0 $0x4  }
0xe3: {  	_ =	swait.ge @!p0 [sflag:s0], s1  }
0xe4: {  	s1 =	ssub.s32 @!p0 $0x0, s1;
	[sflag:s0] =	ssyncset.done @!p0 $0x0  }
0xe5: {  	[sflag:s0] =	ssyncadd.s32 @!p0 s1  }
0xe6: {  	[bflag:$0x3] =	sbarrier.arrive $0xFFFF  }
0xe7: {  	_ =	shalt  }

</sc_bundles>
